<compile_context>
chip_gen: v7x
topology: tpu7x:2x2x1
jax: 0.10.2.dev20260603
libtpu: 0.0.44.dev20260713+nightly
codegen_flags: <defaults>
</compile_context>

<pallas_src>
import math

import numpy as np
import jax
import jax.numpy as jnp
from jax import lax
from jax.experimental import pallas as pl
from jax.experimental.pallas import tpu as pltpu
from jax.experimental.pallas import tpu_sc as plsc
from jax.scipy.special import gammaln

_C = 20
_B = 1048576
_B_SC = 360448
_NC = 2
_NS = 16
_NW = _NC * _NS
_ROWS_W = _B_SC // _NW
_R_C = 512
_CHUNKS = _ROWS_W // _R_C
_GROUPS = _R_C // 16

_LN2 = math.log(2.0)


def _soft_weight_table():
    n = jnp.float32(_C - 1)
    ks = jnp.arange(_C, dtype=jnp.float32)
    ps = ks / n
    eps = jnp.float32(1e-5)
    zero = jnp.float32(0.0)
    mu = ks
    alpha = jnp.sqrt(jnp.maximum(mu * (1.0 - ps) - 1.0, zero)
                     / (jnp.maximum(mu, eps) * (1.0 + mu / jnp.maximum(n - mu, eps))))
    mu_p = mu[:, None, None]
    ks_p = ks[None, :, None]
    i_p = ks[None, None, :]
    ps2 = jnp.stack([ps + alpha, ps - mu * alpha / jnp.maximum(n - mu, eps)], axis=0)
    valid = jnp.logical_and(i_p <= mu_p, i_p >= mu_p + ks_p - n)
    validf = valid.astype(jnp.float32)
    binomials = jnp.exp(
        gammaln(n - mu_p + 1.0) + gammaln(mu_p + 1.0)
        - gammaln(jnp.maximum(ks_p - i_p + 1.0, 1.0))
        - gammaln(i_p + 1.0)
        - gammaln(jnp.maximum(mu_p - i_p + 1.0, 1.0))
        - gammaln(jnp.maximum(n - mu_p - ks_p + i_p + 1.0, 1.0))
    ) * validf
    p = ps2[:, :, None, None]
    stable = jnp.logical_not(jnp.logical_or(jnp.isclose(p, 0.0), jnp.isclose(p, 1.0)))
    sn = stable.astype(jnp.float32)
    p = jnp.where(stable, p, 0.5)
    products = jnp.exp(
        (jnp.log(p[0]) * i_p
         + jnp.log(1.0 - p[0]) * (mu_p - i_p)
         + jnp.log(p[1]) * (ks_p - i_p) * sn[0]
         + jnp.log(1.0 - p[1]) * (n - mu_p - ks_p + i_p))
        * sn[1] * validf
    )
    return (binomials * products).sum(axis=-1)


_FJ = (np.arange(8192, dtype=np.float64) + 0.5) / 8192.0
_CTAB = (np.log2(1.0 + _FJ) - _FJ - 127.0).astype(np.float32)


def _sc_body(x_hbm, t_hbm, sw_hbm, ct_hbm, out_hbm,
             x_v, t_v, sw_v, ct_v, res_v):
    cid = lax.axis_index("c")
    sid = lax.axis_index("s")
    wid = sid * _NC + cid
    base = wid * _ROWS_W

    pltpu.sync_copy(sw_hbm, sw_v)
    pltpu.sync_copy(ct_hbm, ct_v)

    lane = lax.iota(jnp.int32, 16)
    lane20 = lane * _C
    scale = jnp.float32(2.0 ** -23)
    epsv = jnp.float32(1e-16)

    def chunk_body(ci, acc):
        rbase = base + ci * _R_C
        pltpu.sync_copy(x_hbm.at[pl.ds(rbase, _R_C), :], x_v)
        pltpu.sync_copy(t_hbm.at[pl.ds(rbase, _R_C)], t_v)

        def grp_body(g, accv):
            t16 = t_v[pl.ds(g * 16, 16)]
            t20 = t16 * _C
            rows = lane + g * 16
            for c in range(_C):
                cvec = jnp.full((16,), c, jnp.int32)
                xv = plsc.load_gather(x_v, [rows, cvec])
                wv = plsc.load_gather(sw_v, [t20 + c])
                xe = xv + epsv
                i = lax.bitcast_convert_type(xe, jnp.int32)
                fi = lax.convert_element_type(i, jnp.float32)
                jdx = (i >> 10) & 0x1FFF
                corr = plsc.load_gather(ct_v, [jdx])
                lg2 = fi * scale + corr
                accv = accv + lg2 * wv
            return accv

        return lax.fori_loop(0, _GROUPS, grp_body, acc)

    acc = lax.fori_loop(0, _CHUNKS, chunk_body, jnp.zeros((16,), jnp.float32))
    res_v[...] = acc
    pltpu.sync_copy(res_v, out_hbm.at[wid])


_TC_BLK = 4096


def _tc_body(x_ref, t_ref, sw_ref, out_ref):
    i = pl.program_id(0)
    x = x_ref[...]
    lg = jnp.log(x + jnp.float32(1e-16))
    tt = t_ref[0, 0, :]
    iota2 = lax.broadcasted_iota(jnp.int32, (_TC_BLK, _C), 1)
    oh = (tt[:, None] == iota2).astype(jnp.float32)
    w = jnp.dot(oh, sw_ref[...], preferred_element_type=jnp.float32)
    part = jnp.sum(lg * w)

    @pl.when(i == 0)
    def _():
        out_ref[0, 0] = jnp.float32(0.0)

    out_ref[0, 0] += part


def _tc_kernel(inputs, targets, sw):
    nb = (_B - _B_SC) // _TC_BLK
    off = _B_SC // _TC_BLK
    t3 = targets.reshape(_B // _TC_BLK, 1, _TC_BLK)
    total = pl.pallas_call(
        _tc_body,
        grid=(nb,),
        in_specs=[
            pl.BlockSpec((_TC_BLK, _C), lambda i: (i + off, 0)),
            pl.BlockSpec((1, 1, _TC_BLK), lambda i: (i + off, 0, 0)),
            pl.BlockSpec((_C, _C), lambda i: (0, 0)),
        ],
        out_specs=pl.BlockSpec((1, 1), lambda i: (0, 0),
                               memory_space=pltpu.SMEM),
        out_shape=jax.ShapeDtypeStruct((1, 1), jnp.float32),
    )(inputs, t3, sw)
    return total[0, 0]


def _sc_kernel(inputs, targets, sw_ln2_flat, ct):
    mesh = plsc.VectorSubcoreMesh(core_axis_name="c", subcore_axis_name="s",
                                  num_cores=_NC, num_subcores=_NS)
    parts = pl.kernel(
        _sc_body,
        out_type=jax.ShapeDtypeStruct((_NW, 16), jnp.float32),
        mesh=mesh,
        compiler_params=pltpu.CompilerParams(needs_layout_passes=False),
        scratch_types=[
            pltpu.VMEM((_R_C, _C), jnp.float32),
            pltpu.VMEM((_R_C,), jnp.int32),
            pltpu.VMEM((_C * _C,), jnp.float32),
            pltpu.VMEM((8192,), jnp.float32),
            pltpu.VMEM((16,), jnp.float32),
        ],
    )(inputs, targets, sw_ln2_flat, ct)
    return jnp.sum(parts)


def kernel(inputs, targets):
    sw = _soft_weight_table()
    sw_ln2 = sw * jnp.float32(_LN2)
    ct = jnp.asarray(_CTAB)
    total_sc = _sc_kernel(inputs, targets, sw_ln2.reshape(_C * _C), ct)
    total_tc = _tc_kernel(inputs, targets, sw)
    return -((total_sc + total_tc) / _B) - jnp.float32(1.0)

# --- scband reference (transcript-rebuilt; emitter-appended) ---
"""Pipeline reference for scband-binomial-target-ce-3186865734377 (READ-ONLY COPY).

The authoritative reference and input builder live on the scoring server;
editing this copy changes nothing except your own understanding.
"""

import jax, jax.numpy as jnp
import numpy as np
from jax.scipy.special import gammaln

NUMBER_CLASSES = 20
VARIANCE = 1.0
MACHINE_EPS = 1e-16


def _soft_weights(number_classes=NUMBER_CLASSES, variance=VARIANCE):
    # Faithful port of BinomialTargetCE.__init__ (variant 1, variance >= 1e-10)
    n = jnp.float32(number_classes - 1)
    ks = jnp.arange(number_classes, dtype=jnp.float32)
    ps = ks / n
    eps = jnp.float32(1e-5)
    zero = jnp.float32(0.0)
    mu = ks
    alpha = jnp.sqrt(jnp.maximum(mu * (1.0 - ps) - variance, zero)
                     / (jnp.maximum(mu, eps) * (1.0 + mu / jnp.maximum(n - mu, eps))))
    mu_prime = mu[:, None, None]
    ks_prime = ks[None, :, None]
    i_prime = ks[None, None, :]
    ps2 = jnp.stack([ps + alpha, ps - mu * alpha / jnp.maximum(n - mu, eps)], axis=0)
    valid = jnp.logical_and(i_prime <= mu_prime, i_prime >= mu_prime + ks_prime - n)
    validf = valid.astype(jnp.float32)
    binomials = jnp.exp(
        gammaln(n - mu_prime + 1.0) + gammaln(mu_prime + 1.0)
        - gammaln(jnp.maximum(ks_prime - i_prime + 1.0, 1.0))
        - gammaln(i_prime + 1.0)
        - gammaln(jnp.maximum(mu_prime - i_prime + 1.0, 1.0))
        - gammaln(jnp.maximum(n - mu_prime - ks_prime + i_prime + 1.0, 1.0))
    ) * validf
    p = ps2[:, :, None, None]
    stable = jnp.logical_not(jnp.logical_or(jnp.isclose(p, 0.0), jnp.isclose(p, 1.0)))
    sn = stable.astype(jnp.float32)
    p = jnp.where(stable, p, 0.5)
    products = jnp.exp(
        (jnp.log(p[0]) * i_prime
         + jnp.log(1.0 - p[0]) * (mu_prime - i_prime)
         + jnp.log(p[1]) * (ks_prime - i_prime) * sn[0]
         + jnp.log(1.0 - p[1]) * (n - mu_prime - ks_prime + i_prime))
        * sn[1] * validf
    )
    return (binomials * products).sum(axis=-1)  # [C, C]


def setup_inputs(seed: int = 0) -> dict:
    key = jax.random.key(seed)
    k1, k2 = jax.random.split(key)
    B = 1048576
    inputs = jax.random.uniform(k1, (B, NUMBER_CLASSES), dtype=jnp.float32)
    targets = jax.random.randint(k2, (B,), 0, NUMBER_CLASSES)  # int32 indices
    return {"inputs": inputs, "targets": targets}


def reference(inputs, targets):
    sw = _soft_weights()
    long_targets = targets.astype(jnp.int32)
    gathered = jnp.take(sw, long_targets, axis=0)  # [B, C] row gather
    return -(jnp.log(inputs + MACHINE_EPS) * gathered).sum(axis=-1).mean() - 1.0

if __name__ == "__main__":
    import jax
    _d = setup_inputs()
    print(jax.jit(kernel)(*tuple(_d.values())))

</pallas_src>

<mosaic_0001>
#map = affine_map<(d0, d1) -> (0, 0)>
#map1 = affine_map<(d0, d1) -> (0)>
module attributes {stable_mosaic.version = 14 : i64} {
  func.func @_sc_body(%arg0: i32, %arg1: i32, %arg2: memref<1048576x20xf32, #tpu.memory_space<hbm>>, %arg3: memref<1048576xi32, #tpu.memory_space<hbm>>, %arg4: memref<400xf32, #tpu.memory_space<hbm>>, %arg5: memref<8192xf32, #tpu.memory_space<hbm>>, %arg6: memref<32x16xf32, #tpu.memory_space<hbm>>, %arg7: memref<512x20xf32, #tpu.memory_space<vmem>>, %arg8: memref<512xi32, #tpu.memory_space<vmem>>, %arg9: memref<400xf32, #tpu.memory_space<vmem>>, %arg10: memref<8192xf32, #tpu.memory_space<vmem>>, %arg11: memref<16xf32, #tpu.memory_space<vmem>>) attributes {dimension_semantics = [#tpu.dimension_semantics<core_parallel>, #tpu.dimension_semantics<subcore_parallel>], iteration_bounds = array<i64: 2, 16>, scalar_prefetch = 0 : i64, scratch_operands = 5 : i64, tpu.core_type = #tpu.core_type<sc_vector_subcore>, window_params = [{transform_indices = #map}, {transform_indices = #map1}, {transform_indices = #map1}, {transform_indices = #map1}, {transform_indices = #map}]} {
    %mul3A = arith.constant 2 : i32
    %mul3A_0 = arith.muli %arg1, %mul3A : i32
    %add3A = arith.addi %mul3A_0, %arg0 : i32
    %mul3A_1 = arith.constant 11264 : i32
    %mul3A_2 = arith.muli %add3A, %mul3A_1 : i32
    "tpu.region"() ({
      %run_scoped3A = tpu.sem_alloc : memref<!tpu.dma_semaphore, #tpu.memory_space<semaphore_mem>>
      tpu.enqueue_dma source(%arg4 : memref<400xf32, #tpu.memory_space<hbm>>) target(%arg9 : memref<400xf32, #tpu.memory_space<vmem>>) target_semaphore(%run_scoped3A : memref<!tpu.dma_semaphore, #tpu.memory_space<semaphore_mem>>)
      tpu.wait_dma2 semaphore(%run_scoped3A : memref<!tpu.dma_semaphore, #tpu.memory_space<semaphore_mem>>) src(%arg4 : memref<400xf32, #tpu.memory_space<hbm>>) dst(%arg9 : memref<400xf32, #tpu.memory_space<vmem>>)
      tpu.yield
    }) : () -> ()
    "tpu.region"() ({
      %run_scoped3A = tpu.sem_alloc : memref<!tpu.dma_semaphore, #tpu.memory_space<semaphore_mem>>
      tpu.enqueue_dma source(%arg5 : memref<8192xf32, #tpu.memory_space<hbm>>) target(%arg10 : memref<8192xf32, #tpu.memory_space<vmem>>) target_semaphore(%run_scoped3A : memref<!tpu.dma_semaphore, #tpu.memory_space<semaphore_mem>>)
      tpu.wait_dma2 semaphore(%run_scoped3A : memref<!tpu.dma_semaphore, #tpu.memory_space<semaphore_mem>>) src(%arg5 : memref<8192xf32, #tpu.memory_space<hbm>>) dst(%arg10 : memref<8192xf32, #tpu.memory_space<vmem>>)
      tpu.yield
    }) : () -> ()
    %iota3A = tpu.iota {dimensions = array<i32: 0>} : vector<16xi32>
    %mul3A_3 = arith.constant 20 : i32
    %mul3A_4 = vector.broadcast %mul3A_3 : i32 to vector<16xi32>
    %mul3A_5 = arith.muli %iota3A, %mul3A_4 : vector<16xi32>
    %broadcast_in_dim3A = arith.constant 0.000000e+00 : f32
    %broadcast_in_dim3A_6 = vector.broadcast %broadcast_in_dim3A : f32 to vector<16xf32>
    %scan3A = arith.constant 1.000000e-16 : f32
    %scan3A_7 = arith.constant 1.1920929E-7 : f32
    %scan3A_8 = arith.constant 0 : i32
    %scan3A_9 = arith.constant 22 : i32
    %scan3A_10 = arith.addi %scan3A_8, %scan3A_9 : i32
    %scan3A_11 = arith.constant 1 : i32
    %scan3A_12 = scf.for %scan3A_15 = %scan3A_8 to %scan3A_10 step %scan3A_11 iter_args(%scan3A_16 = %broadcast_in_dim3A_6) -> (vector<16xf32>)  : i32 {
      %mul3A_17 = arith.constant 512 : i32
      %mul3A_18 = arith.muli %scan3A_15, %mul3A_17 : i32
      %add3A_19 = arith.addi %mul3A_2, %mul3A_18 : i32
      "tpu.region"() ({
        %run_scoped3A = tpu.sem_alloc : memref<!tpu.dma_semaphore, #tpu.memory_space<semaphore_mem>>
        %dma_start3A = arith.constant 0 : i32
        %dma_start3A_26 = tpu.memref_slice %arg2[%add3A_19, %dma_start3A] : memref<1048576x20xf32, #tpu.memory_space<hbm>> -> memref<512x20xf32, #tpu.memory_space<hbm>>
        %dma_start3A_27 = arith.constant 0 : i32
        %dma_start3A_28 = tpu.memref_slice %arg2[%add3A_19, %dma_start3A_27] : memref<1048576x20xf32, #tpu.memory_space<hbm>> -> memref<512x20xf32, #tpu.memory_space<hbm>>
        tpu.enqueue_dma source(%dma_start3A_28 : memref<512x20xf32, #tpu.memory_space<hbm>>) target(%arg7 : memref<512x20xf32, #tpu.memory_space<vmem>>) target_semaphore(%run_scoped3A : memref<!tpu.dma_semaphore, #tpu.memory_space<semaphore_mem>>)
        %dma_wait3A = arith.constant 0 : i32
        %dma_wait3A_29 = tpu.memref_slice %arg2[%add3A_19, %dma_wait3A] : memref<1048576x20xf32, #tpu.memory_space<hbm>> -> memref<512x20xf32, #tpu.memory_space<hbm>>
        %dma_wait3A_30 = arith.constant 0 : i32
        %dma_wait3A_31 = tpu.memref_slice %arg2[%add3A_19, %dma_wait3A_30] : memref<1048576x20xf32, #tpu.memory_space<hbm>> -> memref<512x20xf32, #tpu.memory_space<hbm>>
        tpu.wait_dma2 semaphore(%run_scoped3A : memref<!tpu.dma_semaphore, #tpu.memory_space<semaphore_mem>>) src(%dma_wait3A_31 : memref<512x20xf32, #tpu.memory_space<hbm>>) dst(%arg7 : memref<512x20xf32, #tpu.memory_space<vmem>>)
        tpu.yield
      }) : () -> ()
      "tpu.region"() ({
        %run_scoped3A = tpu.sem_alloc : memref<!tpu.dma_semaphore, #tpu.memory_space<semaphore_mem>>
        %dma_start3A = tpu.memref_slice %arg3[%add3A_19] : memref<1048576xi32, #tpu.memory_space<hbm>> -> memref<512xi32, #tpu.memory_space<hbm>>
        %dma_start3A_26 = tpu.memref_slice %arg3[%add3A_19] : memref<1048576xi32, #tpu.memory_space<hbm>> -> memref<512xi32, #tpu.memory_space<hbm>>
        tpu.enqueue_dma source(%dma_start3A_26 : memref<512xi32, #tpu.memory_space<hbm>>) target(%arg8 : memref<512xi32, #tpu.memory_space<vmem>>) target_semaphore(%run_scoped3A : memref<!tpu.dma_semaphore, #tpu.memory_space<semaphore_mem>>)
        %dma_wait3A = tpu.memref_slice %arg3[%add3A_19] : memref<1048576xi32, #tpu.memory_space<hbm>> -> memref<512xi32, #tpu.memory_space<hbm>>
        %dma_wait3A_27 = tpu.memref_slice %arg3[%add3A_19] : memref<1048576xi32, #tpu.memory_space<hbm>> -> memref<512xi32, #tpu.memory_space<hbm>>
        tpu.wait_dma2 semaphore(%run_scoped3A : memref<!tpu.dma_semaphore, #tpu.memory_space<semaphore_mem>>) src(%dma_wait3A_27 : memref<512xi32, #tpu.memory_space<hbm>>) dst(%arg8 : memref<512xi32, #tpu.memory_space<vmem>>)
        tpu.yield
      }) : () -> ()
      %scan3A_20 = arith.constant 0 : i32
      %scan3A_21 = arith.constant 32 : i32
      %scan3A_22 = arith.addi %scan3A_20, %scan3A_21 : i32
      %scan3A_23 = arith.constant 1 : i32
      %scan3A_24 = scf.for %scan3A_26 = %scan3A_20 to %scan3A_22 step %scan3A_23 iter_args(%scan3A_27 = %scan3A_16) -> (vector<16xf32>)  : i32 {
        %mul3A_28 = arith.constant 16 : i32
        %mul3A_29 = arith.muli %scan3A_26, %mul3A_28 : i32
        %get3A = arith.index_cast %mul3A_29 : i32 to index
        %get3A_30 = tpu.vector_load %arg8[%get3A] {strides = array<i32>} : memref<512xi32, #tpu.memory_space<vmem>>, vector<16xi32>,
        %mul3A_31 = arith.constant 20 : i32
        %mul3A_32 = vector.broadcast %mul3A_31 : i32 to vector<16xi32>
        %mul3A_33 = arith.muli %get3A_30, %mul3A_32 : vector<16xi32>
        %mul3A_34 = arith.constant 16 : i32
        %mul3A_35 = arith.muli %scan3A_26, %mul3A_34 : i32
        %add3A_36 = vector.broadcast %mul3A_35 : i32 to vector<16xi32>
        %add3A_37 = arith.addi %iota3A, %add3A_36 : vector<16xi32>
        %broadcast_in_dim3A_38 = arith.constant 0 : i32
        %broadcast_in_dim3A_39 = vector.broadcast %broadcast_in_dim3A_38 : i32 to vector<16xi32>
        %gather3A = tpu.vector_load_idx %arg7[%add3A_37, %broadcast_in_dim3A_39] : memref<512x20xf32, #tpu.memory_space<vmem>>[vector<16xi32>, vector<16xi32>], vector<16xf32>,
        %add3A_40 = arith.constant 0 : i32
        %add3A_41 = vector.broadcast %add3A_40 : i32 to vector<16xi32>
        %add3A_42 = arith.addi %mul3A_33, %add3A_41 : vector<16xi32>
        %gather3A_43 = tpu.vector_load_idx %arg9[%add3A_42] : memref<400xf32, #tpu.memory_space<vmem>>[vector<16xi32>], vector<16xf32>,
        %add3A_44 = vector.broadcast %scan3A : f32 to vector<16xf32>
        %add3A_45 = arith.addf %gather3A, %add3A_44 : vector<16xf32>
        %bitcast_convert_type3A = tpu.bitcast %add3A_45 : vector<16xf32> -> vector<16xi32>
        %convert_element_type3A = arith.sitofp %bitcast_convert_type3A : vector<16xi32> to vector<16xf32>
        %shift_right_arithmetic3A = arith.constant 10 : i32
        %shift_right_arithmetic3A_46 = vector.broadcast %shift_right_arithmetic3A : i32 to vector<16xi32>
        %shift_right_arithmetic3A_47 = arith.shrsi %bitcast_convert_type3A, %shift_right_arithmetic3A_46 : vector<16xi32>
        %and3A = arith.constant 8191 : i32
        %and3A_48 = vector.broadcast %and3A : i32 to vector<16xi32>
        %and3A_49 = arith.andi %shift_right_arithmetic3A_47, %and3A_48 : vector<16xi32>
        %gather3A_50 = tpu.vector_load_idx %arg10[%and3A_49] : memref<8192xf32, #tpu.memory_space<vmem>>[vector<16xi32>], vector<16xf32>,
        %mul3A_51 = vector.broadcast %scan3A_7 : f32 to vector<16xf32>
        %mul3A_52 = arith.mulf %convert_element_type3A, %mul3A_51 : vector<16xf32>
        %add3A_53 = arith.addf %mul3A_52, %gather3A_50 : vector<16xf32>
        %mul3A_54 = arith.mulf %add3A_53, %gather3A_43 : vector<16xf32>
        %add3A_55 = arith.addf %scan3A_27, %mul3A_54 : vector<16xf32>
        %broadcast_in_dim3A_56 = arith.constant 1 : i32
        %broadcast_in_dim3A_57 = vector.broadcast %broadcast_in_dim3A_56 : i32 to vector<16xi32>
        %gather3A_58 = tpu.vector_load_idx %arg7[%add3A_37, %broadcast_in_dim3A_57] : memref<512x20xf32, #tpu.memory_space<vmem>>[vector<16xi32>, vector<16xi32>], vector<16xf32>,
        %add3A_59 = arith.constant 1 : i32
        %add3A_60 = vector.broadcast %add3A_59 : i32 to vector<16xi32>
        %add3A_61 = arith.addi %mul3A_33, %add3A_60 : vector<16xi32>
        %gather3A_62 = tpu.vector_load_idx %arg9[%add3A_61] : memref<400xf32, #tpu.memory_space<vmem>>[vector<16xi32>], vector<16xf32>,
        %add3A_63 = vector.broadcast %scan3A : f32 to vector<16xf32>
        %add3A_64 = arith.addf %gather3A_58, %add3A_63 : vector<16xf32>
        %bitcast_convert_type3A_65 = tpu.bitcast %add3A_64 : vector<16xf32> -> vector<16xi32>
        %convert_element_type3A_66 = arith.sitofp %bitcast_convert_type3A_65 : vector<16xi32> to vector<16xf32>
        %shift_right_arithmetic3A_67 = arith.constant 10 : i32
        %shift_right_arithmetic3A_68 = vector.broadcast %shift_right_arithmetic3A_67 : i32 to vector<16xi32>
        %shift_right_arithmetic3A_69 = arith.shrsi %bitcast_convert_type3A_65, %shift_right_arithmetic3A_68 : vector<16xi32>
        %and3A_70 = arith.constant 8191 : i32
        %and3A_71 = vector.broadcast %and3A_70 : i32 to vector<16xi32>
        %and3A_72 = arith.andi %shift_right_arithmetic3A_69, %and3A_71 : vector<16xi32>
        %gather3A_73 = tpu.vector_load_idx %arg10[%and3A_72] : memref<8192xf32, #tpu.memory_space<vmem>>[vector<16xi32>], vector<16xf32>,
        %mul3A_74 = vector.broadcast %scan3A_7 : f32 to vector<16xf32>
        %mul3A_75 = arith.mulf %convert_element_type3A_66, %mul3A_74 : vector<16xf32>
        %add3A_76 = arith.addf %mul3A_75, %gather3A_73 : vector<16xf32>
        %mul3A_77 = arith.mulf %add3A_76, %gather3A_62 : vector<16xf32>
        %add3A_78 = arith.addf %add3A_55, %mul3A_77 : vector<16xf32>
        %broadcast_in_dim3A_79 = arith.constant 2 : i32
        %broadcast_in_dim3A_80 = vector.broadcast %broadcast_in_dim3A_79 : i32 to vector<16xi32>
        %gather3A_81 = tpu.vector_load_idx %arg7[%add3A_37, %broadcast_in_dim3A_80] : memref<512x20xf32, #tpu.memory_space<vmem>>[vector<16xi32>, vector<16xi32>], vector<16xf32>,
        %add3A_82 = arith.constant 2 : i32
        %add3A_83 = vector.broadcast %add3A_82 : i32 to vector<16xi32>
        %add3A_84 = arith.addi %mul3A_33, %add3A_83 : vector<16xi32>
        %gather3A_85 = tpu.vector_load_idx %arg9[%add3A_84] : memref<400xf32, #tpu.memory_space<vmem>>[vector<16xi32>], vector<16xf32>,
        %add3A_86 = vector.broadcast %scan3A : f32 to vector<16xf32>
        %add3A_87 = arith.addf %gather3A_81, %add3A_86 : vector<16xf32>
        %bitcast_convert_type3A_88 = tpu.bitcast %add3A_87 : vector<16xf32> -> vector<16xi32>
        %convert_element_type3A_89 = arith.sitofp %bitcast_convert_type3A_88 : vector<16xi32> to vector<16xf32>
        %shift_right_arithmetic3A_90 = arith.constant 10 : i32
        %shift_right_arithmetic3A_91 = vector.broadcast %shift_right_arithmetic3A_90 : i32 to vector<16xi32>
        %shift_right_arithmetic3A_92 = arith.shrsi %bitcast_convert_type3A_88, %shift_right_arithmetic3A_91 : vector<16xi32>
        %and3A_93 = arith.constant 8191 : i32
        %and3A_94 = vector.broadcast %and3A_93 : i32 to vector<16xi32>
        %and3A_95 = arith.andi %shift_right_arithmetic3A_92, %and3A_94 : vector<16xi32>
        %gather3A_96 = tpu.vector_load_idx %arg10[%and3A_95] : memref<8192xf32, #tpu.memory_space<vmem>>[vector<16xi32>], vector<16xf32>,
        %mul3A_97 = vector.broadcast %scan3A_7 : f32 to vector<16xf32>
        %mul3A_98 = arith.mulf %convert_element_type3A_89, %mul3A_97 : vector<16xf32>
        %add3A_99 = arith.addf %mul3A_98, %gather3A_96 : vector<16xf32>
        %mul3A_100 = arith.mulf %add3A_99, %gather3A_85 : vector<16xf32>
        %add3A_101 = arith.addf %add3A_78, %mul3A_100 : vector<16xf32>
        %broadcast_in_dim3A_102 = arith.constant 3 : i32
        %broadcast_in_dim3A_103 = vector.broadcast %broadcast_in_dim3A_102 : i32 to vector<16xi32>
        %gather3A_104 = tpu.vector_load_idx %arg7[%add3A_37, %broadcast_in_dim3A_103] : memref<512x20xf32, #tpu.memory_space<vmem>>[vector<16xi32>, vector<16xi32>], vector<16xf32>,
        %add3A_105 = arith.constant 3 : i32
        %add3A_106 = vector.broadcast %add3A_105 : i32 to vector<16xi32>
        %add3A_107 = arith.addi %mul3A_33, %add3A_106 : vector<16xi32>
        %gather3A_108 = tpu.vector_load_idx %arg9[%add3A_107] : memref<400xf32, #tpu.memory_space<vmem>>[vector<16xi32>], vector<16xf32>,
        %add3A_109 = vector.broadcast %scan3A : f32 to vector<16xf32>
        %add3A_110 = arith.addf %gather3A_104, %add3A_109 : vector<16xf32>
        %bitcast_convert_type3A_111 = tpu.bitcast %add3A_110 : vector<16xf32> -> vector<16xi32>
        %convert_element_type3A_112 = arith.sitofp %bitcast_convert_type3A_111 : vector<16xi32> to vector<16xf32>
        %shift_right_arithmetic3A_113 = arith.constant 10 : i32
        %shift_right_arithmetic3A_114 = vector.broadcast %shift_right_arithmetic3A_113 : i32 to vector<16xi32>
        %shift_right_arithmetic3A_115 = arith.shrsi %bitcast_convert_type3A_111, %shift_right_arithmetic3A_114 : vector<16xi32>
        %and3A_116 = arith.constant 8191 : i32
        %and3A_117 = vector.broadcast %and3A_116 : i32 to vector<16xi32>
        %and3A_118 = arith.andi %shift_right_arithmetic3A_115, %and3A_117 : vector<16xi32>
        %gather3A_119 = tpu.vector_load_idx %arg10[%and3A_118] : memref<8192xf32, #tpu.memory_space<vmem>>[vector<16xi32>], vector<16xf32>,
        %mul3A_120 = vector.broadcast %scan3A_7 : f32 to vector<16xf32>
        %mul3A_121 = arith.mulf %convert_element_type3A_112, %mul3A_120 : vector<16xf32>
        %add3A_122 = arith.addf %mul3A_121, %gather3A_119 : vector<16xf32>
        %mul3A_123 = arith.mulf %add3A_122, %gather3A_108 : vector<16xf32>
        %add3A_124 = arith.addf %add3A_101, %mul3A_123 : vector<16xf32>
        %broadcast_in_dim3A_125 = arith.constant 4 : i32
        %broadcast_in_dim3A_126 = vector.broadcast %broadcast_in_dim3A_125 : i32 to vector<16xi32>
        %gather3A_127 = tpu.vector_load_idx %arg7[%add3A_37, %broadcast_in_dim3A_126] : memref<512x20xf32, #tpu.memory_space<vmem>>[vector<16xi32>, vector<16xi32>], vector<16xf32>,
        %add3A_128 = arith.constant 4 : i32
        %add3A_129 = vector.broadcast %add3A_128 : i32 to vector<16xi32>
        %add3A_130 = arith.addi %mul3A_33, %add3A_129 : vector<16xi32>
        %gather3A_131 = tpu.vector_load_idx %arg9[%add3A_130] : memref<400xf32, #tpu.memory_space<vmem>>[vector<16xi32>], vector<16xf32>,
        %add3A_132 = vector.broadcast %scan3A : f32 to vector<16xf32>
        %add3A_133 = arith.addf %gather3A_127, %add3A_132 : vector<16xf32>
        %bitcast_convert_type3A_134 = tpu.bitcast %add3A_133 : vector<16xf32> -> vector<16xi32>
        %convert_element_type3A_135 = arith.sitofp %bitcast_convert_type3A_134 : vector<16xi32> to vector<16xf32>
        %shift_right_arithmetic3A_136 = arith.constant 10 : i32
        %shift_right_arithmetic3A_137 = vector.broadcast %shift_right_arithmetic3A_136 : i32 to vector<16xi32>
        %shift_right_arithmetic3A_138 = arith.shrsi %bitcast_convert_type3A_134, %shift_right_arithmetic3A_137 : vector<16xi32>
        %and3A_139 = arith.constant 8191 : i32
        %and3A_140 = vector.broadcast %and3A_139 : i32 to vector<16xi32>
        %and3A_141 = arith.andi %shift_right_arithmetic3A_138, %and3A_140 : vector<16xi32>
        %gather3A_142 = tpu.vector_load_idx %arg10[%and3A_141] : memref<8192xf32, #tpu.memory_space<vmem>>[vector<16xi32>], vector<16xf32>,
        %mul3A_143 = vector.broadcast %scan3A_7 : f32 to vector<16xf32>
        %mul3A_144 = arith.mulf %convert_element_type3A_135, %mul3A_143 : vector<16xf32>
        %add3A_145 = arith.addf %mul3A_144, %gather3A_142 : vector<16xf32>
        %mul3A_146 = arith.mulf %add3A_145, %gather3A_131 : vector<16xf32>
        %add3A_147 = arith.addf %add3A_124, %mul3A_146 : vector<16xf32>
        %broadcast_in_dim3A_148 = arith.constant 5 : i32
        %broadcast_in_dim3A_149 = vector.broadcast %broadcast_in_dim3A_148 : i32 to vector<16xi32>
        %gather3A_150 = tpu.vector_load_idx %arg7[%add3A_37, %broadcast_in_dim3A_149] : memref<512x20xf32, #tpu.memory_space<vmem>>[vector<16xi32>, vector<16xi32>], vector<16xf32>,
        %add3A_151 = arith.constant 5 : i32
        %add3A_152 = vector.broadcast %add3A_151 : i32 to vector<16xi32>
        %add3A_153 = arith.addi %mul3A_33, %add3A_152 : vector<16xi32>
        %gather3A_154 = tpu.vector_load_idx %arg9[%add3A_153] : memref<400xf32, #tpu.memory_space<vmem>>[vector<16xi32>], vector<16xf32>,
        %add3A_155 = vector.broadcast %scan3A : f32 to vector<16xf32>
        %add3A_156 = arith.addf %gather3A_150, %add3A_155 : vector<16xf32>
        %bitcast_convert_type3A_157 = tpu.bitcast %add3A_156 : vector<16xf32> -> vector<16xi32>
        %convert_element_type3A_158 = arith.sitofp %bitcast_convert_type3A_157 : vector<16xi32> to vector<16xf32>
        %shift_right_arithmetic3A_159 = arith.constant 10 : i32
        %shift_right_arithmetic3A_160 = vector.broadcast %shift_right_arithmetic3A_159 : i32 to vector<16xi32>
        %shift_right_arithmetic3A_161 = arith.shrsi %bitcast_convert_type3A_157, %shift_right_arithmetic3A_160 : vector<16xi32>
        %and3A_162 = arith.constant 8191 : i32
        %and3A_163 = vector.broadcast %and3A_162 : i32 to vector<16xi32>
        %and3A_164 = arith.andi %shift_right_arithmetic3A_161, %and3A_163 : vector<16xi32>
        %gather3A_165 = tpu.vector_load_idx %arg10[%and3A_164] : memref<8192xf32, #tpu.memory_space<vmem>>[vector<16xi32>], vector<16xf32>,
        %mul3A_166 = vector.broadcast %scan3A_7 : f32 to vector<16xf32>
        %mul3A_167 = arith.mulf %convert_element_type3A_158, %mul3A_166 : vector<16xf32>
        %add3A_168 = arith.addf %mul3A_167, %gather3A_165 : vector<16xf32>
        %mul3A_169 = arith.mulf %add3A_168, %gather3A_154 : vector<16xf32>
        %add3A_170 = arith.addf %add3A_147, %mul3A_169 : vector<16xf32>
        %broadcast_in_dim3A_171 = arith.constant 6 : i32
        %broadcast_in_dim3A_172 = vector.broadcast %broadcast_in_dim3A_171 : i32 to vector<16xi32>
        %gather3A_173 = tpu.vector_load_idx %arg7[%add3A_37, %broadcast_in_dim3A_172] : memref<512x20xf32, #tpu.memory_space<vmem>>[vector<16xi32>, vector<16xi32>], vector<16xf32>,
        %add3A_174 = arith.constant 6 : i32
        %add3A_175 = vector.broadcast %add3A_174 : i32 to vector<16xi32>
        %add3A_176 = arith.addi %mul3A_33, %add3A_175 : vector<16xi32>
        %gather3A_177 = tpu.vector_load_idx %arg9[%add3A_176] : memref<400xf32, #tpu.memory_space<vmem>>[vector<16xi32>], vector<16xf32>,
        %add3A_178 = vector.broadcast %scan3A : f32 to vector<16xf32>
        %add3A_179 = arith.addf %gather3A_173, %add3A_178 : vector<16xf32>
        %bitcast_convert_type3A_180 = tpu.bitcast %add3A_179 : vector<16xf32> -> vector<16xi32>
        %convert_element_type3A_181 = arith.sitofp %bitcast_convert_type3A_180 : vector<16xi32> to vector<16xf32>
        %shift_right_arithmetic3A_182 = arith.constant 10 : i32
        %shift_right_arithmetic3A_183 = vector.broadcast %shift_right_arithmetic3A_182 : i32 to vector<16xi32>
        %shift_right_arithmetic3A_184 = arith.shrsi %bitcast_convert_type3A_180, %shift_right_arithmetic3A_183 : vector<16xi32>
        %and3A_185 = arith.constant 8191 : i32
        %and3A_186 = vector.broadcast %and3A_185 : i32 to vector<16xi32>
        %and3A_187 = arith.andi %shift_right_arithmetic3A_184, %and3A_186 : vector<16xi32>
        %gather3A_188 = tpu.vector_load_idx %arg10[%and3A_187] : memref<8192xf32, #tpu.memory_space<vmem>>[vector<16xi32>], vector<16xf32>,
        %mul3A_189 = vector.broadcast %scan3A_7 : f32 to vector<16xf32>
        %mul3A_190 = arith.mulf %convert_element_type3A_181, %mul3A_189 : vector<16xf32>
        %add3A_191 = arith.addf %mul3A_190, %gather3A_188 : vector<16xf32>
        %mul3A_192 = arith.mulf %add3A_191, %gather3A_177 : vector<16xf32>
        %add3A_193 = arith.addf %add3A_170, %mul3A_192 : vector<16xf32>
        %broadcast_in_dim3A_194 = arith.constant 7 : i32
        %broadcast_in_dim3A_195 = vector.broadcast %broadcast_in_dim3A_194 : i32 to vector<16xi32>
        %gather3A_196 = tpu.vector_load_idx %arg7[%add3A_37, %broadcast_in_dim3A_195] : memref<512x20xf32, #tpu.memory_space<vmem>>[vector<16xi32>, vector<16xi32>], vector<16xf32>,
        %add3A_197 = arith.constant 7 : i32
        %add3A_198 = vector.broadcast %add3A_197 : i32 to vector<16xi32>
        %add3A_199 = arith.addi %mul3A_33, %add3A_198 : vector<16xi32>
        %gather3A_200 = tpu.vector_load_idx %arg9[%add3A_199] : memref<400xf32, #tpu.memory_space<vmem>>[vector<16xi32>], vector<16xf32>,
        %add3A_201 = vector.broadcast %scan3A : f32 to vector<16xf32>
        %add3A_202 = arith.addf %gather3A_196, %add3A_201 : vector<16xf32>
        %bitcast_convert_type3A_203 = tpu.bitcast %add3A_202 : vector<16xf32> -> vector<16xi32>
        %convert_element_type3A_204 = arith.sitofp %bitcast_convert_type3A_203 : vector<16xi32> to vector<16xf32>
        %shift_right_arithmetic3A_205 = arith.constant 10 : i32
        %shift_right_arithmetic3A_206 = vector.broadcast %shift_right_arithmetic3A_205 : i32 to vector<16xi32>
        %shift_right_arithmetic3A_207 = arith.shrsi %bitcast_convert_type3A_203, %shift_right_arithmetic3A_206 : vector<16xi32>
        %and3A_208 = arith.constant 8191 : i32
        %and3A_209 = vector.broadcast %and3A_208 : i32 to vector<16xi32>
        %and3A_210 = arith.andi %shift_right_arithmetic3A_207, %and3A_209 : vector<16xi32>
        %gather3A_211 = tpu.vector_load_idx %arg10[%and3A_210] : memref<8192xf32, #tpu.memory_space<vmem>>[vector<16xi32>], vector<16xf32>,
        %mul3A_212 = vector.broadcast %scan3A_7 : f32 to vector<16xf32>
        %mul3A_213 = arith.mulf %convert_element_type3A_204, %mul3A_212 : vector<16xf32>
        %add3A_214 = arith.addf %mul3A_213, %gather3A_211 : vector<16xf32>
        %mul3A_215 = arith.mulf %add3A_214, %gather3A_200 : vector<16xf32>
        %add3A_216 = arith.addf %add3A_193, %mul3A_215 : vector<16xf32>
        %broadcast_in_dim3A_217 = arith.constant 8 : i32
        %broadcast_in_dim3A_218 = vector.broadcast %broadcast_in_dim3A_217 : i32 to vector<16xi32>
        %gather3A_219 = tpu.vector_load_idx %arg7[%add3A_37, %broadcast_in_dim3A_218] : memref<512x20xf32, #tpu.memory_space<vmem>>[vector<16xi32>, vector<16xi32>], vector<16xf32>,
        %add3A_220 = arith.constant 8 : i32
        %add3A_221 = vector.broadcast %add3A_220 : i32 to vector<16xi32>
        %add3A_222 = arith.addi %mul3A_33, %add3A_221 : vector<16xi32>
        %gather3A_223 = tpu.vector_load_idx %arg9[%add3A_222] : memref<400xf32, #tpu.memory_space<vmem>>[vector<16xi32>], vector<16xf32>,
        %add3A_224 = vector.broadcast %scan3A : f32 to vector<16xf32>
        %add3A_225 = arith.addf %gather3A_219, %add3A_224 : vector<16xf32>
        %bitcast_convert_type3A_226 = tpu.bitcast %add3A_225 : vector<16xf32> -> vector<16xi32>
        %convert_element_type3A_227 = arith.sitofp %bitcast_convert_type3A_226 : vector<16xi32> to vector<16xf32>
        %shift_right_arithmetic3A_228 = arith.constant 10 : i32
        %shift_right_arithmetic3A_229 = vector.broadcast %shift_right_arithmetic3A_228 : i32 to vector<16xi32>
        %shift_right_arithmetic3A_230 = arith.shrsi %bitcast_convert_type3A_226, %shift_right_arithmetic3A_229 : vector<16xi32>
        %and3A_231 = arith.constant 8191 : i32
        %and3A_232 = vector.broadcast %and3A_231 : i32 to vector<16xi32>
        %and3A_233 = arith.andi %shift_right_arithmetic3A_230, %and3A_232 : vector<16xi32>
        %gather3A_234 = tpu.vector_load_idx %arg10[%and3A_233] : memref<8192xf32, #tpu.memory_space<vmem>>[vector<16xi32>], vector<16xf32>,
        %mul3A_235 = vector.broadcast %scan3A_7 : f32 to vector<16xf32>
        %mul3A_236 = arith.mulf %convert_element_type3A_227, %mul3A_235 : vector<16xf32>
        %add3A_237 = arith.addf %mul3A_236, %gather3A_234 : vector<16xf32>
        %mul3A_238 = arith.mulf %add3A_237, %gather3A_223 : vector<16xf32>
        %add3A_239 = arith.addf %add3A_216, %mul3A_238 : vector<16xf32>
        %broadcast_in_dim3A_240 = arith.constant 9 : i32
        %broadcast_in_dim3A_241 = vector.broadcast %broadcast_in_dim3A_240 : i32 to vector<16xi32>
        %gather3A_242 = tpu.vector_load_idx %arg7[%add3A_37, %broadcast_in_dim3A_241] : memref<512x20xf32, #tpu.memory_space<vmem>>[vector<16xi32>, vector<16xi32>], vector<16xf32>,
        %add3A_243 = arith.constant 9 : i32
        %add3A_244 = vector.broadcast %add3A_243 : i32 to vector<16xi32>
        %add3A_245 = arith.addi %mul3A_33, %add3A_244 : vector<16xi32>
        %gather3A_246 = tpu.vector_load_idx %arg9[%add3A_245] : memref<400xf32, #tpu.memory_space<vmem>>[vector<16xi32>], vector<16xf32>,
        %add3A_247 = vector.broadcast %scan3A : f32 to vector<16xf32>
        %add3A_248 = arith.addf %gather3A_242, %add3A_247 : vector<16xf32>
        %bitcast_convert_type3A_249 = tpu.bitcast %add3A_248 : vector<16xf32> -> vector<16xi32>
        %convert_element_type3A_250 = arith.sitofp %bitcast_convert_type3A_249 : vector<16xi32> to vector<16xf32>
        %shift_right_arithmetic3A_251 = arith.constant 10 : i32
        %shift_right_arithmetic3A_252 = vector.broadcast %shift_right_arithmetic3A_251 : i32 to vector<16xi32>
        %shift_right_arithmetic3A_253 = arith.shrsi %bitcast_convert_type3A_249, %shift_right_arithmetic3A_252 : vector<16xi32>
        %and3A_254 = arith.constant 8191 : i32
        %and3A_255 = vector.broadcast %and3A_254 : i32 to vector<16xi32>
        %and3A_256 = arith.andi %shift_right_arithmetic3A_253, %and3A_255 : vector<16xi32>
        %gather3A_257 = tpu.vector_load_idx %arg10[%and3A_256] : memref<8192xf32, #tpu.memory_space<vmem>>[vector<16xi32>], vector<16xf32>,
        %mul3A_258 = vector.broadcast %scan3A_7 : f32 to vector<16xf32>
        %mul3A_259 = arith.mulf %convert_element_type3A_250, %mul3A_258 : vector<16xf32>
        %add3A_260 = arith.addf %mul3A_259, %gather3A_257 : vector<16xf32>
        %mul3A_261 = arith.mulf %add3A_260, %gather3A_246 : vector<16xf32>
        %add3A_262 = arith.addf %add3A_239, %mul3A_261 : vector<16xf32>
        %broadcast_in_dim3A_263 = arith.constant 10 : i32
        %broadcast_in_dim3A_264 = vector.broadcast %broadcast_in_dim3A_263 : i32 to vector<16xi32>
        %gather3A_265 = tpu.vector_load_idx %arg7[%add3A_37, %broadcast_in_dim3A_264] : memref<512x20xf32, #tpu.memory_space<vmem>>[vector<16xi32>, vector<16xi32>], vector<16xf32>,
        %add3A_266 = arith.constant 10 : i32
        %add3A_267 = vector.broadcast %add3A_266 : i32 to vector<16xi32>
        %add3A_268 = arith.addi %mul3A_33, %add3A_267 : vector<16xi32>
        %gather3A_269 = tpu.vector_load_idx %arg9[%add3A_268] : memref<400xf32, #tpu.memory_space<vmem>>[vector<16xi32>], vector<16xf32>,
        %add3A_270 = vector.broadcast %scan3A : f32 to vector<16xf32>
        %add3A_271 = arith.addf %gather3A_265, %add3A_270 : vector<16xf32>
        %bitcast_convert_type3A_272 = tpu.bitcast %add3A_271 : vector<16xf32> -> vector<16xi32>
        %convert_element_type3A_273 = arith.sitofp %bitcast_convert_type3A_272 : vector<16xi32> to vector<16xf32>
        %shift_right_arithmetic3A_274 = arith.constant 10 : i32
        %shift_right_arithmetic3A_275 = vector.broadcast %shift_right_arithmetic3A_274 : i32 to vector<16xi32>
        %shift_right_arithmetic3A_276 = arith.shrsi %bitcast_convert_type3A_272, %shift_right_arithmetic3A_275 : vector<16xi32>
        %and3A_277 = arith.constant 8191 : i32
        %and3A_278 = vector.broadcast %and3A_277 : i32 to vector<16xi32>
        %and3A_279 = arith.andi %shift_right_arithmetic3A_276, %and3A_278 : vector<16xi32>
        %gather3A_280 = tpu.vector_load_idx %arg10[%and3A_279] : memref<8192xf32, #tpu.memory_space<vmem>>[vector<16xi32>], vector<16xf32>,
        %mul3A_281 = vector.broadcast %scan3A_7 : f32 to vector<16xf32>
        %mul3A_282 = arith.mulf %convert_element_type3A_273, %mul3A_281 : vector<16xf32>
        %add3A_283 = arith.addf %mul3A_282, %gather3A_280 : vector<16xf32>
        %mul3A_284 = arith.mulf %add3A_283, %gather3A_269 : vector<16xf32>
        %add3A_285 = arith.addf %add3A_262, %mul3A_284 : vector<16xf32>
        %broadcast_in_dim3A_286 = arith.constant 11 : i32
        %broadcast_in_dim3A_287 = vector.broadcast %broadcast_in_dim3A_286 : i32 to vector<16xi32>
        %gather3A_288 = tpu.vector_load_idx %arg7[%add3A_37, %broadcast_in_dim3A_287] : memref<512x20xf32, #tpu.memory_space<vmem>>[vector<16xi32>, vector<16xi32>], vector<16xf32>,
        %add3A_289 = arith.constant 11 : i32
        %add3A_290 = vector.broadcast %add3A_289 : i32 to vector<16xi32>
        %add3A_291 = arith.addi %mul3A_33, %add3A_290 : vector<16xi32>
        %gather3A_292 = tpu.vector_load_idx %arg9[%add3A_291] : memref<400xf32, #tpu.memory_space<vmem>>[vector<16xi32>], vector<16xf32>,
        %add3A_293 = vector.broadcast %scan3A : f32 to vector<16xf32>
        %add3A_294 = arith.addf %gather3A_288, %add3A_293 : vector<16xf32>
        %bitcast_convert_type3A_295 = tpu.bitcast %add3A_294 : vector<16xf32> -> vector<16xi32>
        %convert_element_type3A_296 = arith.sitofp %bitcast_convert_type3A_295 : vector<16xi32> to vector<16xf32>
        %shift_right_arithmetic3A_297 = arith.constant 10 : i32
        %shift_right_arithmetic3A_298 = vector.broadcast %shift_right_arithmetic3A_297 : i32 to vector<16xi32>
        %shift_right_arithmetic3A_299 = arith.shrsi %bitcast_convert_type3A_295, %shift_right_arithmetic3A_298 : vector<16xi32>
        %and3A_300 = arith.constant 8191 : i32
        %and3A_301 = vector.broadcast %and3A_300 : i32 to vector<16xi32>
        %and3A_302 = arith.andi %shift_right_arithmetic3A_299, %and3A_301 : vector<16xi32>
        %gather3A_303 = tpu.vector_load_idx %arg10[%and3A_302] : memref<8192xf32, #tpu.memory_space<vmem>>[vector<16xi32>], vector<16xf32>,
        %mul3A_304 = vector.broadcast %scan3A_7 : f32 to vector<16xf32>
        %mul3A_305 = arith.mulf %convert_element_type3A_296, %mul3A_304 : vector<16xf32>
        %add3A_306 = arith.addf %mul3A_305, %gather3A_303 : vector<16xf32>
        %mul3A_307 = arith.mulf %add3A_306, %gather3A_292 : vector<16xf32>
        %add3A_308 = arith.addf %add3A_285, %mul3A_307 : vector<16xf32>
        %broadcast_in_dim3A_309 = arith.constant 12 : i32
        %broadcast_in_dim3A_310 = vector.broadcast %broadcast_in_dim3A_309 : i32 to vector<16xi32>
        %gather3A_311 = tpu.vector_load_idx %arg7[%add3A_37, %broadcast_in_dim3A_310] : memref<512x20xf32, #tpu.memory_space<vmem>>[vector<16xi32>, vector<16xi32>], vector<16xf32>,
        %add3A_312 = arith.constant 12 : i32
        %add3A_313 = vector.broadcast %add3A_312 : i32 to vector<16xi32>
        %add3A_314 = arith.addi %mul3A_33, %add3A_313 : vector<16xi32>
        %gather3A_315 = tpu.vector_load_idx %arg9[%add3A_314] : memref<400xf32, #tpu.memory_space<vmem>>[vector<16xi32>], vector<16xf32>,
        %add3A_316 = vector.broadcast %scan3A : f32 to vector<16xf32>
        %add3A_317 = arith.addf %gather3A_311, %add3A_316 : vector<16xf32>
        %bitcast_convert_type3A_318 = tpu.bitcast %add3A_317 : vector<16xf32> -> vector<16xi32>
        %convert_element_type3A_319 = arith.sitofp %bitcast_convert_type3A_318 : vector<16xi32> to vector<16xf32>
        %shift_right_arithmetic3A_320 = arith.constant 10 : i32
        %shift_right_arithmetic3A_321 = vector.broadcast %shift_right_arithmetic3A_320 : i32 to vector<16xi32>
        %shift_right_arithmetic3A_322 = arith.shrsi %bitcast_convert_type3A_318, %shift_right_arithmetic3A_321 : vector<16xi32>
        %and3A_323 = arith.constant 8191 : i32
        %and3A_324 = vector.broadcast %and3A_323 : i32 to vector<16xi32>
        %and3A_325 = arith.andi %shift_right_arithmetic3A_322, %and3A_324 : vector<16xi32>
        %gather3A_326 = tpu.vector_load_idx %arg10[%and3A_325] : memref<8192xf32, #tpu.memory_space<vmem>>[vector<16xi32>], vector<16xf32>,
        %mul3A_327 = vector.broadcast %scan3A_7 : f32 to vector<16xf32>
        %mul3A_328 = arith.mulf %convert_element_type3A_319, %mul3A_327 : vector<16xf32>
        %add3A_329 = arith.addf %mul3A_328, %gather3A_326 : vector<16xf32>
        %mul3A_330 = arith.mulf %add3A_329, %gather3A_315 : vector<16xf32>
        %add3A_331 = arith.addf %add3A_308, %mul3A_330 : vector<16xf32>
        %broadcast_in_dim3A_332 = arith.constant 13 : i32
        %broadcast_in_dim3A_333 = vector.broadcast %broadcast_in_dim3A_332 : i32 to vector<16xi32>
        %gather3A_334 = tpu.vector_load_idx %arg7[%add3A_37, %broadcast_in_dim3A_333] : memref<512x20xf32, #tpu.memory_space<vmem>>[vector<16xi32>, vector<16xi32>], vector<16xf32>,
        %add3A_335 = arith.constant 13 : i32
        %add3A_336 = vector.broadcast %add3A_335 : i32 to vector<16xi32>
        %add3A_337 = arith.addi %mul3A_33, %add3A_336 : vector<16xi32>
        %gather3A_338 = tpu.vector_load_idx %arg9[%add3A_337] : memref<400xf32, #tpu.memory_space<vmem>>[vector<16xi32>], vector<16xf32>,
        %add3A_339 = vector.broadcast %scan3A : f32 to vector<16xf32>
        %add3A_340 = arith.addf %gather3A_334, %add3A_339 : vector<16xf32>
        %bitcast_convert_type3A_341 = tpu.bitcast %add3A_340 : vector<16xf32> -> vector<16xi32>
        %convert_element_type3A_342 = arith.sitofp %bitcast_convert_type3A_341 : vector<16xi32> to vector<16xf32>
        %shift_right_arithmetic3A_343 = arith.constant 10 : i32
        %shift_right_arithmetic3A_344 = vector.broadcast %shift_right_arithmetic3A_343 : i32 to vector<16xi32>
        %shift_right_arithmetic3A_345 = arith.shrsi %bitcast_convert_type3A_341, %shift_right_arithmetic3A_344 : vector<16xi32>
        %and3A_346 = arith.constant 8191 : i32
        %and3A_347 = vector.broadcast %and3A_346 : i32 to vector<16xi32>
        %and3A_348 = arith.andi %shift_right_arithmetic3A_345, %and3A_347 : vector<16xi32>
        %gather3A_349 = tpu.vector_load_idx %arg10[%and3A_348] : memref<8192xf32, #tpu.memory_space<vmem>>[vector<16xi32>], vector<16xf32>,
        %mul3A_350 = vector.broadcast %scan3A_7 : f32 to vector<16xf32>
        %mul3A_351 = arith.mulf %convert_element_type3A_342, %mul3A_350 : vector<16xf32>
        %add3A_352 = arith.addf %mul3A_351, %gather3A_349 : vector<16xf32>
        %mul3A_353 = arith.mulf %add3A_352, %gather3A_338 : vector<16xf32>
        %add3A_354 = arith.addf %add3A_331, %mul3A_353 : vector<16xf32>
        %broadcast_in_dim3A_355 = arith.constant 14 : i32
        %broadcast_in_dim3A_356 = vector.broadcast %broadcast_in_dim3A_355 : i32 to vector<16xi32>
        %gather3A_357 = tpu.vector_load_idx %arg7[%add3A_37, %broadcast_in_dim3A_356] : memref<512x20xf32, #tpu.memory_space<vmem>>[vector<16xi32>, vector<16xi32>], vector<16xf32>,
        %add3A_358 = arith.constant 14 : i32
        %add3A_359 = vector.broadcast %add3A_358 : i32 to vector<16xi32>
        %add3A_360 = arith.addi %mul3A_33, %add3A_359 : vector<16xi32>
        %gather3A_361 = tpu.vector_load_idx %arg9[%add3A_360] : memref<400xf32, #tpu.memory_space<vmem>>[vector<16xi32>], vector<16xf32>,
        %add3A_362 = vector.broadcast %scan3A : f32 to vector<16xf32>
        %add3A_363 = arith.addf %gather3A_357, %add3A_362 : vector<16xf32>
        %bitcast_convert_type3A_364 = tpu.bitcast %add3A_363 : vector<16xf32> -> vector<16xi32>
        %convert_element_type3A_365 = arith.sitofp %bitcast_convert_type3A_364 : vector<16xi32> to vector<16xf32>
        %shift_right_arithmetic3A_366 = arith.constant 10 : i32
        %shift_right_arithmetic3A_367 = vector.broadcast %shift_right_arithmetic3A_366 : i32 to vector<16xi32>
        %shift_right_arithmetic3A_368 = arith.shrsi %bitcast_convert_type3A_364, %shift_right_arithmetic3A_367 : vector<16xi32>
        %and3A_369 = arith.constant 8191 : i32
        %and3A_370 = vector.broadcast %and3A_369 : i32 to vector<16xi32>
        %and3A_371 = arith.andi %shift_right_arithmetic3A_368, %and3A_370 : vector<16xi32>
        %gather3A_372 = tpu.vector_load_idx %arg10[%and3A_371] : memref<8192xf32, #tpu.memory_space<vmem>>[vector<16xi32>], vector<16xf32>,
        %mul3A_373 = vector.broadcast %scan3A_7 : f32 to vector<16xf32>
        %mul3A_374 = arith.mulf %convert_element_type3A_365, %mul3A_373 : vector<16xf32>
        %add3A_375 = arith.addf %mul3A_374, %gather3A_372 : vector<16xf32>
        %mul3A_376 = arith.mulf %add3A_375, %gather3A_361 : vector<16xf32>
        %add3A_377 = arith.addf %add3A_354, %mul3A_376 : vector<16xf32>
        %broadcast_in_dim3A_378 = arith.constant 15 : i32
        %broadcast_in_dim3A_379 = vector.broadcast %broadcast_in_dim3A_378 : i32 to vector<16xi32>
        %gather3A_380 = tpu.vector_load_idx %arg7[%add3A_37, %broadcast_in_dim3A_379] : memref<512x20xf32, #tpu.memory_space<vmem>>[vector<16xi32>, vector<16xi32>], vector<16xf32>,
        %add3A_381 = arith.constant 15 : i32
        %add3A_382 = vector.broadcast %add3A_381 : i32 to vector<16xi32>
        %add3A_383 = arith.addi %mul3A_33, %add3A_382 : vector<16xi32>
        %gather3A_384 = tpu.vector_load_idx %arg9[%add3A_383] : memref<400xf32, #tpu.memory_space<vmem>>[vector<16xi32>], vector<16xf32>,
        %add3A_385 = vector.broadcast %scan3A : f32 to vector<16xf32>
        %add3A_386 = arith.addf %gather3A_380, %add3A_385 : vector<16xf32>
        %bitcast_convert_type3A_387 = tpu.bitcast %add3A_386 : vector<16xf32> -> vector<16xi32>
        %convert_element_type3A_388 = arith.sitofp %bitcast_convert_type3A_387 : vector<16xi32> to vector<16xf32>
        %shift_right_arithmetic3A_389 = arith.constant 10 : i32
        %shift_right_arithmetic3A_390 = vector.broadcast %shift_right_arithmetic3A_389 : i32 to vector<16xi32>
        %shift_right_arithmetic3A_391 = arith.shrsi %bitcast_convert_type3A_387, %shift_right_arithmetic3A_390 : vector<16xi32>
        %and3A_392 = arith.constant 8191 : i32
        %and3A_393 = vector.broadcast %and3A_392 : i32 to vector<16xi32>
        %and3A_394 = arith.andi %shift_right_arithmetic3A_391, %and3A_393 : vector<16xi32>
        %gather3A_395 = tpu.vector_load_idx %arg10[%and3A_394] : memref<8192xf32, #tpu.memory_space<vmem>>[vector<16xi32>], vector<16xf32>,
        %mul3A_396 = vector.broadcast %scan3A_7 : f32 to vector<16xf32>
        %mul3A_397 = arith.mulf %convert_element_type3A_388, %mul3A_396 : vector<16xf32>
        %add3A_398 = arith.addf %mul3A_397, %gather3A_395 : vector<16xf32>
        %mul3A_399 = arith.mulf %add3A_398, %gather3A_384 : vector<16xf32>
        %add3A_400 = arith.addf %add3A_377, %mul3A_399 : vector<16xf32>
        %broadcast_in_dim3A_401 = arith.constant 16 : i32
        %broadcast_in_dim3A_402 = vector.broadcast %broadcast_in_dim3A_401 : i32 to vector<16xi32>
        %gather3A_403 = tpu.vector_load_idx %arg7[%add3A_37, %broadcast_in_dim3A_402] : memref<512x20xf32, #tpu.memory_space<vmem>>[vector<16xi32>, vector<16xi32>], vector<16xf32>,
        %add3A_404 = arith.constant 16 : i32
        %add3A_405 = vector.broadcast %add3A_404 : i32 to vector<16xi32>
        %add3A_406 = arith.addi %mul3A_33, %add3A_405 : vector<16xi32>
        %gather3A_407 = tpu.vector_load_idx %arg9[%add3A_406] : memref<400xf32, #tpu.memory_space<vmem>>[vector<16xi32>], vector<16xf32>,
        %add3A_408 = vector.broadcast %scan3A : f32 to vector<16xf32>
        %add3A_409 = arith.addf %gather3A_403, %add3A_408 : vector<16xf32>
        %bitcast_convert_type3A_410 = tpu.bitcast %add3A_409 : vector<16xf32> -> vector<16xi32>
        %convert_element_type3A_411 = arith.sitofp %bitcast_convert_type3A_410 : vector<16xi32> to vector<16xf32>
        %shift_right_arithmetic3A_412 = arith.constant 10 : i32
        %shift_right_arithmetic3A_413 = vector.broadcast %shift_right_arithmetic3A_412 : i32 to vector<16xi32>
        %shift_right_arithmetic3A_414 = arith.shrsi %bitcast_convert_type3A_410, %shift_right_arithmetic3A_413 : vector<16xi32>
        %and3A_415 = arith.constant 8191 : i32
        %and3A_416 = vector.broadcast %and3A_415 : i32 to vector<16xi32>
        %and3A_417 = arith.andi %shift_right_arithmetic3A_414, %and3A_416 : vector<16xi32>
        %gather3A_418 = tpu.vector_load_idx %arg10[%and3A_417] : memref<8192xf32, #tpu.memory_space<vmem>>[vector<16xi32>], vector<16xf32>,
        %mul3A_419 = vector.broadcast %scan3A_7 : f32 to vector<16xf32>
        %mul3A_420 = arith.mulf %convert_element_type3A_411, %mul3A_419 : vector<16xf32>
        %add3A_421 = arith.addf %mul3A_420, %gather3A_418 : vector<16xf32>
        %mul3A_422 = arith.mulf %add3A_421, %gather3A_407 : vector<16xf32>
        %add3A_423 = arith.addf %add3A_400, %mul3A_422 : vector<16xf32>
        %broadcast_in_dim3A_424 = arith.constant 17 : i32
        %broadcast_in_dim3A_425 = vector.broadcast %broadcast_in_dim3A_424 : i32 to vector<16xi32>
        %gather3A_426 = tpu.vector_load_idx %arg7[%add3A_37, %broadcast_in_dim3A_425] : memref<512x20xf32, #tpu.memory_space<vmem>>[vector<16xi32>, vector<16xi32>], vector<16xf32>,
        %add3A_427 = arith.constant 17 : i32
        %add3A_428 = vector.broadcast %add3A_427 : i32 to vector<16xi32>
        %add3A_429 = arith.addi %mul3A_33, %add3A_428 : vector<16xi32>
        %gather3A_430 = tpu.vector_load_idx %arg9[%add3A_429] : memref<400xf32, #tpu.memory_space<vmem>>[vector<16xi32>], vector<16xf32>,
        %add3A_431 = vector.broadcast %scan3A : f32 to vector<16xf32>
        %add3A_432 = arith.addf %gather3A_426, %add3A_431 : vector<16xf32>
        %bitcast_convert_type3A_433 = tpu.bitcast %add3A_432 : vector<16xf32> -> vector<16xi32>
        %convert_element_type3A_434 = arith.sitofp %bitcast_convert_type3A_433 : vector<16xi32> to vector<16xf32>
        %shift_right_arithmetic3A_435 = arith.constant 10 : i32
        %shift_right_arithmetic3A_436 = vector.broadcast %shift_right_arithmetic3A_435 : i32 to vector<16xi32>
        %shift_right_arithmetic3A_437 = arith.shrsi %bitcast_convert_type3A_433, %shift_right_arithmetic3A_436 : vector<16xi32>
        %and3A_438 = arith.constant 8191 : i32
        %and3A_439 = vector.broadcast %and3A_438 : i32 to vector<16xi32>
        %and3A_440 = arith.andi %shift_right_arithmetic3A_437, %and3A_439 : vector<16xi32>
        %gather3A_441 = tpu.vector_load_idx %arg10[%and3A_440] : memref<8192xf32, #tpu.memory_space<vmem>>[vector<16xi32>], vector<16xf32>,
        %mul3A_442 = vector.broadcast %scan3A_7 : f32 to vector<16xf32>
        %mul3A_443 = arith.mulf %convert_element_type3A_434, %mul3A_442 : vector<16xf32>
        %add3A_444 = arith.addf %mul3A_443, %gather3A_441 : vector<16xf32>
        %mul3A_445 = arith.mulf %add3A_444, %gather3A_430 : vector<16xf32>
        %add3A_446 = arith.addf %add3A_423, %mul3A_445 : vector<16xf32>
        %broadcast_in_dim3A_447 = arith.constant 18 : i32
        %broadcast_in_dim3A_448 = vector.broadcast %broadcast_in_dim3A_447 : i32 to vector<16xi32>
        %gather3A_449 = tpu.vector_load_idx %arg7[%add3A_37, %broadcast_in_dim3A_448] : memref<512x20xf32, #tpu.memory_space<vmem>>[vector<16xi32>, vector<16xi32>], vector<16xf32>,
        %add3A_450 = arith.constant 18 : i32
        %add3A_451 = vector.broadcast %add3A_450 : i32 to vector<16xi32>
        %add3A_452 = arith.addi %mul3A_33, %add3A_451 : vector<16xi32>
        %gather3A_453 = tpu.vector_load_idx %arg9[%add3A_452] : memref<400xf32, #tpu.memory_space<vmem>>[vector<16xi32>], vector<16xf32>,
        %add3A_454 = vector.broadcast %scan3A : f32 to vector<16xf32>
        %add3A_455 = arith.addf %gather3A_449, %add3A_454 : vector<16xf32>
        %bitcast_convert_type3A_456 = tpu.bitcast %add3A_455 : vector<16xf32> -> vector<16xi32>
        %convert_element_type3A_457 = arith.sitofp %bitcast_convert_type3A_456 : vector<16xi32> to vector<16xf32>
        %shift_right_arithmetic3A_458 = arith.constant 10 : i32
        %shift_right_arithmetic3A_459 = vector.broadcast %shift_right_arithmetic3A_458 : i32 to vector<16xi32>
        %shift_right_arithmetic3A_460 = arith.shrsi %bitcast_convert_type3A_456, %shift_right_arithmetic3A_459 : vector<16xi32>
        %and3A_461 = arith.constant 8191 : i32
        %and3A_462 = vector.broadcast %and3A_461 : i32 to vector<16xi32>
        %and3A_463 = arith.andi %shift_right_arithmetic3A_460, %and3A_462 : vector<16xi32>
        %gather3A_464 = tpu.vector_load_idx %arg10[%and3A_463] : memref<8192xf32, #tpu.memory_space<vmem>>[vector<16xi32>], vector<16xf32>,
        %mul3A_465 = vector.broadcast %scan3A_7 : f32 to vector<16xf32>
        %mul3A_466 = arith.mulf %convert_element_type3A_457, %mul3A_465 : vector<16xf32>
        %add3A_467 = arith.addf %mul3A_466, %gather3A_464 : vector<16xf32>
        %mul3A_468 = arith.mulf %add3A_467, %gather3A_453 : vector<16xf32>
        %add3A_469 = arith.addf %add3A_446, %mul3A_468 : vector<16xf32>
        %broadcast_in_dim3A_470 = arith.constant 19 : i32
        %broadcast_in_dim3A_471 = vector.broadcast %broadcast_in_dim3A_470 : i32 to vector<16xi32>
        %gather3A_472 = tpu.vector_load_idx %arg7[%add3A_37, %broadcast_in_dim3A_471] : memref<512x20xf32, #tpu.memory_space<vmem>>[vector<16xi32>, vector<16xi32>], vector<16xf32>,
        %add3A_473 = arith.constant 19 : i32
        %add3A_474 = vector.broadcast %add3A_473 : i32 to vector<16xi32>
        %add3A_475 = arith.addi %mul3A_33, %add3A_474 : vector<16xi32>
        %gather3A_476 = tpu.vector_load_idx %arg9[%add3A_475] : memref<400xf32, #tpu.memory_space<vmem>>[vector<16xi32>], vector<16xf32>,
        %add3A_477 = vector.broadcast %scan3A : f32 to vector<16xf32>
        %add3A_478 = arith.addf %gather3A_472, %add3A_477 : vector<16xf32>
        %bitcast_convert_type3A_479 = tpu.bitcast %add3A_478 : vector<16xf32> -> vector<16xi32>
        %convert_element_type3A_480 = arith.sitofp %bitcast_convert_type3A_479 : vector<16xi32> to vector<16xf32>
        %shift_right_arithmetic3A_481 = arith.constant 10 : i32
        %shift_right_arithmetic3A_482 = vector.broadcast %shift_right_arithmetic3A_481 : i32 to vector<16xi32>
        %shift_right_arithmetic3A_483 = arith.shrsi %bitcast_convert_type3A_479, %shift_right_arithmetic3A_482 : vector<16xi32>
        %and3A_484 = arith.constant 8191 : i32
        %and3A_485 = vector.broadcast %and3A_484 : i32 to vector<16xi32>
        %and3A_486 = arith.andi %shift_right_arithmetic3A_483, %and3A_485 : vector<16xi32>
        %gather3A_487 = tpu.vector_load_idx %arg10[%and3A_486] : memref<8192xf32, #tpu.memory_space<vmem>>[vector<16xi32>], vector<16xf32>,
        %mul3A_488 = vector.broadcast %scan3A_7 : f32 to vector<16xf32>
        %mul3A_489 = arith.mulf %convert_element_type3A_480, %mul3A_488 : vector<16xf32>
        %add3A_490 = arith.addf %mul3A_489, %gather3A_487 : vector<16xf32>
        %mul3A_491 = arith.mulf %add3A_490, %gather3A_476 : vector<16xf32>
        %add3A_492 = arith.addf %add3A_469, %mul3A_491 : vector<16xf32>
        scf.yield %add3A_492 : vector<16xf32>
      }
      %scan3A_25 = arith.constant 32 : i32
      scf.yield %scan3A_24 : vector<16xf32>
    }
    %scan3A_13 = arith.constant 22 : i32
    %swap3A = arith.constant 0 : index
    %swap3A_14 = tpu.vector_load %arg11[%swap3A] {strides = array<i32>} : memref<16xf32, #tpu.memory_space<vmem>>, vector<16xf32>,
    tpu.vector_store %arg11[%swap3A], %scan3A_12 {strides = array<i32>} : memref<16xf32, #tpu.memory_space<vmem>>, vector<16xf32>,
    "tpu.region"() ({
      %run_scoped3A = tpu.sem_alloc : memref<!tpu.dma_semaphore, #tpu.memory_space<semaphore_mem>>
      %dma_start3A = arith.constant 0 : i32
      %dma_start3A_15 = tpu.memref_slice %arg6[%add3A, %dma_start3A] : memref<32x16xf32, #tpu.memory_space<hbm>> -> memref<1x16xf32, #tpu.memory_space<hbm>>
      %dma_start3A_16 = tpu.memref_squeeze %dma_start3A_15 : memref<1x16xf32, #tpu.memory_space<hbm>> -> memref<16xf32, #tpu.memory_space<hbm>>
      %dma_start3A_17 = arith.constant 0 : i32
      %dma_start3A_18 = tpu.memref_slice %arg6[%add3A, %dma_start3A_17] : memref<32x16xf32, #tpu.memory_space<hbm>> -> memref<1x16xf32, #tpu.memory_space<hbm>>
      %dma_start3A_19 = tpu.memref_squeeze %dma_start3A_18 : memref<1x16xf32, #tpu.memory_space<hbm>> -> memref<16xf32, #tpu.memory_space<hbm>>
      tpu.enqueue_dma source(%arg11 : memref<16xf32, #tpu.memory_space<vmem>>) target(%dma_start3A_19 : memref<16xf32, #tpu.memory_space<hbm>>) target_semaphore(%run_scoped3A : memref<!tpu.dma_semaphore, #tpu.memory_space<semaphore_mem>>)
      %dma_wait3A = arith.constant 0 : i32
      %dma_wait3A_20 = tpu.memref_slice %arg6[%add3A, %dma_wait3A] : memref<32x16xf32, #tpu.memory_space<hbm>> -> memref<1x16xf32, #tpu.memory_space<hbm>>
      %dma_wait3A_21 = tpu.memref_squeeze %dma_wait3A_20 : memref<1x16xf32, #tpu.memory_space<hbm>> -> memref<16xf32, #tpu.memory_space<hbm>>
      %dma_wait3A_22 = arith.constant 0 : i32
      %dma_wait3A_23 = tpu.memref_slice %arg6[%add3A, %dma_wait3A_22] : memref<32x16xf32, #tpu.memory_space<hbm>> -> memref<1x16xf32, #tpu.memory_space<hbm>>
      %dma_wait3A_24 = tpu.memref_squeeze %dma_wait3A_23 : memref<1x16xf32, #tpu.memory_space<hbm>> -> memref<16xf32, #tpu.memory_space<hbm>>
      tpu.wait_dma2 semaphore(%run_scoped3A : memref<!tpu.dma_semaphore, #tpu.memory_space<semaphore_mem>>) src(%arg11 : memref<16xf32, #tpu.memory_space<vmem>>) dst(%dma_wait3A_24 : memref<16xf32, #tpu.memory_space<hbm>>)
      tpu.yield
    }) : () -> ()
    return
  }
}

module attributes {stable_mosaic.version = 14 : i64} {
  func.func @_tc_body(%arg0: i32, %arg1: memref<4096x20xf32, #tpu.memory_space<vmem>>, %arg2: memref<1x1x4096xi32, #tpu.memory_space<vmem>>, %arg3: memref<20x20xf32, #tpu.memory_space<vmem>>, %arg4: memref<1x1xf32, #tpu.memory_space<smem>>) attributes {dimension_semantics = [#tpu.dimension_semantics<arbitrary>], iteration_bounds = array<i64: 168>, scalar_prefetch = 0 : i64, scratch_operands = 0 : i64, tpu.core_type = #tpu.core_type<tc>, window_params = [{transform_indices = @transform_0, window_bounds = array<i64: 4096, 20>}, {transform_indices = @transform_1, window_bounds = array<i64: 1, 1, 4096>}, {pipeline_mode = #tpu.pipeline_mode<synchronous>, transform_indices = @transform_2, window_bounds = array<i64: 20, 20>}, {transform_indices = @transform_3, window_bounds = array<i64: 1, 1>}]} {
    %get3A = arith.constant 0 : index
    %get3A_0 = arith.constant 0 : index
    %get3A_1 = vector.load %arg1[%get3A, %get3A_0] : memref<4096x20xf32, #tpu.memory_space<vmem>>, vector<4096x20xf32>
    %add3A = arith.constant 1.000000e-16 : f32
    %add3A_2 = vector.broadcast %add3A : f32 to vector<4096x20xf32>
    %add3A_3 = arith.addf %get3A_1, %add3A_2 : vector<4096x20xf32>
    %log3A = math.log %add3A_3 : vector<4096x20xf32>
    %get3A_4 = arith.constant 0 : index
    %get3A_5 = arith.constant 0 : index
    %get3A_6 = arith.constant 0 : index
    %get3A_7 = vector.load %arg2[%get3A_4, %get3A_5, %get3A_6] : memref<1x1x4096xi32, #tpu.memory_space<vmem>>, vector<1x1x4096xi32>
    %get3A_8 = vector.shape_cast %get3A_7 : vector<1x1x4096xi32> to vector<4096xi32>
    %iota3A = tpu.iota {dimensions = array<i32: 1>} : vector<4096x20xi32>
    %broadcast_in_dim3A = vector.shape_cast %get3A_8 : vector<4096xi32> to vector<4096x1xi32>
    %eq3A = vector.broadcast %broadcast_in_dim3A : vector<4096x1xi32> to vector<4096x20xi32>
    %eq3A_9 = arith.cmpi eq, %eq3A, %iota3A : vector<4096x20xi32>
    %convert_element_type3A = arith.extui %eq3A_9 : vector<4096x20xi1> to vector<4096x20xi32>
    %convert_element_type3A_10 = arith.sitofp %convert_element_type3A : vector<4096x20xi32> to vector<4096x20xf32>
    %get3A_11 = arith.constant 0 : index
    %get3A_12 = arith.constant 0 : index
    %get3A_13 = vector.load %arg3[%get3A_11, %get3A_12] : memref<20x20xf32, #tpu.memory_space<vmem>>, vector<20x20xf32>
    %dot_general3A = arith.constant dense<0.000000e+00> : vector<4096x20xf32>
    %dot_general3A_14 = tpu.matmul %convert_element_type3A_10, %get3A_13, %dot_general3A {dimension_numbers = #tpu.dot_dimension_numbers<[1], [0], [0], [1], [0, 0, 1, 1], [], []>, transpose_lhs_hint = false} : vector<4096x20xf32>, vector<20x20xf32>, vector<4096x20xf32> -> vector<4096x20xf32>
    %mul3A = arith.mulf %log3A, %dot_general3A_14 : vector<4096x20xf32>
    %reduce_sum3A = vector.shape_cast %mul3A : vector<4096x20xf32> to vector<1x4096x20xf32>
    %reduce_sum3A_15 = arith.constant dense<0.000000e+00> : vector<1xf32>
    %reduce_sum3A_16 = vector.multi_reduction <add>, %reduce_sum3A, %reduce_sum3A_15 [1, 2] : vector<1x4096x20xf32> to vector<1xf32>
    %reduce_sum3A_17 = vector.shape_cast %reduce_sum3A_16 : vector<1xf32> to vector<1x1x1xf32>
    %reduce_sum3A_18 = vector.extract %reduce_sum3A_17[0, 0, 0] : f32 from vector<1x1x1xf32>
    %eq3A_19 = arith.constant 0 : i32
    %eq3A_20 = arith.cmpi eq, %arg0, %eq3A_19 : i32
    %convert_element_type3A_21 = arith.extui %eq3A_20 : i1 to i32
    %cond3A = arith.constant 0 : i32
    %cond3A_22 = arith.cmpi ne, %convert_element_type3A_21, %cond3A : i32
    scf.if %cond3A_22 {
      %swap3A_29 = arith.constant 0.000000e+00 : f32
      %swap3A_30 = arith.constant 0 : index
      %swap3A_31 = arith.constant 0 : index
      %swap3A_32 = memref.load %arg4[%swap3A_30, %swap3A_31] : memref<1x1xf32, #tpu.memory_space<smem>>
      memref.store %swap3A_29, %arg4[%swap3A_30, %swap3A_31] : memref<1x1xf32, #tpu.memory_space<smem>>
    } else {
    }
    %get3A_23 = arith.constant 0 : index
    %get3A_24 = arith.constant 0 : index
    %get3A_25 = memref.load %arg4[%get3A_23, %get3A_24] : memref<1x1xf32, #tpu.memory_space<smem>>
    %add3A_26 = arith.addf %get3A_25, %reduce_sum3A_18 : f32
    %swap3A = arith.constant 0 : index
    %swap3A_27 = arith.constant 0 : index
    %swap3A_28 = memref.load %arg4[%swap3A, %swap3A_27] : memref<1x1xf32, #tpu.memory_space<smem>>
    memref.store %add3A_26, %arg4[%swap3A, %swap3A_27] : memref<1x1xf32, #tpu.memory_space<smem>>
    return
  }
  func.func @transform_0(%arg0: i32) -> (i32, i32) {
    %add3A = arith.constant 88 : i32
    %add3A_0 = arith.addi %arg0, %add3A : i32
    %c0_i32 = arith.constant 0 : i32
    %c0_i32_1 = arith.constant 0 : i32
    return %add3A_0, %c0_i32 : i32, i32
  }
  func.func @transform_1(%arg0: i32) -> (i32, i32, i32) {
    %add3A = arith.constant 88 : i32
    %add3A_0 = arith.addi %arg0, %add3A : i32
    %c0_i32 = arith.constant 0 : i32
    %c0_i32_1 = arith.constant 0 : i32
    %c0_i32_2 = arith.constant 0 : i32
    return %add3A_0, %c0_i32, %c0_i32_1 : i32, i32, i32
  }
  func.func @transform_2(%arg0: i32) -> (i32, i32) {
    %c0_i32 = arith.constant 0 : i32
    %c0_i32_0 = arith.constant 0 : i32
    %c0_i32_1 = arith.constant 0 : i32
    return %c0_i32, %c0_i32_0 : i32, i32
  }
  func.func @transform_3(%arg0: i32) -> (i32, i32) {
    %c0_i32 = arith.constant 0 : i32
    %c0_i32_0 = arith.constant 0 : i32
    %c0_i32_1 = arith.constant 0 : i32
    return %c0_i32, %c0_i32_0 : i32, i32
  }
}

</mosaic_0001>

<sc_bundles>
// kernel: kernel.4.cloned.1.call-start
scs
__scs_entry_jumppad:
0x0: {  	(pc) =	sbr.rel $0x88, $3  }
0x1: {  	(tag) =	ssettag $0x0;
	lr =	simm.s32 $0x1  }
0x2: {  	[smem:$0x3F9F] =	sst lr;
	_ =	strace $0xD0000000  }
0x3: {  	_ = 	snop  }
0x4: {  	_ = 	snop  }
0x5: {  	_ = 	snop  }
0x6: {  	_ = 	snop  }
0x7: {  	_ = 	snop  }
__scs_overlays_trampoline_lowered:
0x8: {  	[smem:$0x3FAE] =	sst s0  }
0x9: {  	[smem:$0x3FAF] =	sst s1  }
0xa: {  	[smem:$0x3FB0] =	sst s2  }
0xb: {  	[smem:$0x3FB1] =	sst s3  }
0xc: {  	[smem:$0x3FB2] =	sst s4  }
0xd: {  	[smem:$0x3FB3] =	sst s5  }
0xe: {  	[smem:$0x3FB4] =	sst s6  }
0xf: {  	[smem:$0x3FB5] =	sst s7  }
0x10: {  	[smem:$0x3FB6] =	sst s8  }
0x11: {  	[smem:$0x3FB7] =	sst s9;
	s0 =	simm.s32 @!p0 $0x0  }
0x12: {  	s1 =	sld [smem:$0x3F9D];
	s0 =	simm.s32 @p0 $0x1  }
0x13: {  	[smem:$0x3FB8] =	sst s0;
	s0 =	simm.s32 @!p1 $0x0  }
0x14: {  	s2 =	sld [smem:$0x3F9C];
	s0 =	simm.s32 @p1 $0x1  }
0x15: {  	[smem:$0x3FB9] =	sst s0;
	s0 =	simm.s32 @!p2 $0x0  }
0x16: {  	s3 =	sld [smem:$0x3FDB];
	s0 =	simm.s32 @p2 $0x1  }
0x17: {  	s4 =	simm.s32 $0x1BF5;
	[smem:$0x3FBB] =	sst s0  }
0x18: {  	s0 =	sld [smem:$0x3F9E];
	_ =	swait.ge [sflag:s4], $0x0  }
0x19: {  	s7 =	sld [smem:$0x3F9F]  }
0x1a: {  	s8 =	sadd.s32 $0xFFFFE003, lr  }
0x1b: {  	s9 =	sadd.s32 $0xFFFFFEF7, lr;
	s5 =	simm.s32 $0xFFFFFFFF;
	p2 =	slt.u32 s8, $0xFFFFF086  }
0x1c: {  	p1 =	slt.u32 s9, $0xF7A;
	s5 =	simm.s32 @!p2 $0x0  }
0x1d: {  	s5 =	simm.s32 @p1 $0x1;
	p0 =	seq.s32 s7, s2  }
0x1e: {  	s7 =	smul.u32 @!p0 $0xF7A, s2;
	p2 =	seq.s32 @!p0 s5, $0x0  }
0x1f: {  	s9 =	smul.u32 $0xF7A, s1;
	s8 =	simm.s32 @!p0 $0x1BF5;
	p2 =	por !p2, p0  }
0x20: {  	[sflag:s8] =	ssyncset.s32 @!p0 $0xFFFFF086;
	s6 =	sadd.s32 @!p0 s3, s7;
	s7 =	simm.s32 @!p0 $0x108  }
0x21: {  	s3 =	sadd.s32 s3, s9;
	s6 =	sadd.s32 @!p0 $0x88, s6;
	s7 =	simm.s32 @p2 $0x1082  }
0x22: {  	[simem:s7], [sflag:s8] =	dma.local @!p0 [hbm:s6], $0xF7A  }
0x23: {  	s9 =	sor.u32 $0xD0000000, s2;
	s6 =	simm.s32 $0x108;
	_ =	swait.ge @!p0 [sflag:s8], $0x0  }
0x24: {  	s3 =	sadd.s32 $0x88, s3;
	s6 =	simm.s32 @!p1 $0x1082;
	[sflag:s4] =	ssyncset.s32 $0xFFFFF086  }
0x25: {  	[simem:s6], [sflag:s4] =	dma.local [hbm:s3], $0xF7A  }
0x26: {  	[smem:$0x3F9F] =	sst s1;
	(tag) =	ssettag s2;
	_ =	strace s9  }
0x27: {  	s1 =	sld [smem:$0x3FAF]  }
0x28: {  	s2 =	sld [smem:$0x3FB0]  }
0x29: {  	s4 =	sld [smem:$0x3FB2]  }
0x2a: {  	p0 =	seq.s32 s5, $0x0;
	s5 =	sld [smem:$0x3FB3]  }
0x2b: {  	s6 =	sld [smem:$0x3FB4]  }
0x2c: {  	s7 =	sld [smem:$0x3FB5]  }
0x2d: {  	s3 =	simm.s32 $0x108;
	s8 =	sld [smem:$0x3FB6]  }
0x2e: {  	s3 =	simm.s32 @!p0 $0x1082;
	s9 =	sld [smem:$0x3FB7]  }
0x2f: {  	lr =	sadd.s32 s0, s3;
	s0 =	sld [smem:$0x3FAE]  }
0x30: {  	s3 =	sld [smem:$0x3FB1]  }
0x31: {  	[smem:$0x3FBA] =	sst s10  }
0x32: {  	s10 =	sld [smem:$0x3FB8];
	_ =	sdelay $0x3  }
0x33: {  	p0 =	seq.s32 s10, $0x1;
	s10 =	sld [smem:$0x3FBA];
	_ =	sdelay $0x3  }
0x34: {  	[smem:$0x3FBA] =	sst s10  }
0x35: {  	s10 =	sld [smem:$0x3FB9];
	_ =	sdelay $0x3  }
0x36: {  	p1 =	seq.s32 s10, $0x1;
	s10 =	sld [smem:$0x3FBA];
	_ =	sdelay $0x3  }
0x37: {  	[smem:$0x3FBA] =	sst s10  }
0x38: {  	s10 =	sld [smem:$0x3FBB]  }
0x39: {  	_ = 	snop;
	(pc) =	sbr.ind lr, $3  }
0x3a: {  	_ = 	snop  }
0x3b: {  	_ = 	snop  }
0x3c: {  	p2 =	seq.s32 s10, $0x1;
	s10 =	sld [smem:$0x3FBA]  }
0x3d: {  	_ =	shalt  }
0x3e: {  	_ =	shalt  }
0x3f: {  	_ =	shalt  }
0x40: {  	_ =	shalt  }
0x41: {  	_ =	shalt  }
0x42: {  	_ =	shalt  }
0x43: {  	_ =	shalt  }
0x44: {  	_ =	shalt  }
0x45: {  	_ =	shalt  }
0x46: {  	_ =	shalt  }
0x47: {  	_ =	shalt  }
0x48: {  	_ =	shalt  }
0x49: {  	_ =	shalt  }
0x4a: {  	_ =	shalt  }
0x4b: {  	_ =	shalt  }
0x4c: {  	_ =	shalt  }
0x4d: {  	_ =	shalt  }
0x4e: {  	_ =	shalt  }
0x4f: {  	_ =	shalt  }
0x50: {  	_ =	shalt  }
0x51: {  	_ =	shalt  }
0x52: {  	_ =	shalt  }
0x53: {  	_ =	shalt  }
0x54: {  	_ =	shalt  }
0x55: {  	_ =	shalt  }
0x56: {  	_ =	shalt  }
0x57: {  	_ =	shalt  }
0x58: {  	_ =	shalt  }
0x59: {  	_ =	shalt  }
0x5a: {  	_ =	shalt  }
0x5b: {  	_ =	shalt  }
0x5c: {  	_ =	shalt  }
0x5d: {  	_ =	shalt  }
0x5e: {  	_ =	shalt  }
0x5f: {  	_ =	shalt  }
0x60: {  	_ =	shalt  }
0x61: {  	_ =	shalt  }
0x62: {  	_ =	shalt  }
0x63: {  	_ =	shalt  }
0x64: {  	_ =	shalt  }
0x65: {  	_ =	shalt  }
0x66: {  	_ =	shalt  }
0x67: {  	_ =	shalt  }
0x68: {  	_ =	shalt  }
0x69: {  	_ =	shalt  }
0x6a: {  	_ =	shalt  }
0x6b: {  	_ =	shalt  }
0x6c: {  	_ =	shalt  }
0x6d: {  	_ =	shalt  }
0x6e: {  	_ =	shalt  }
0x6f: {  	_ =	shalt  }
0x70: {  	_ =	shalt  }
0x71: {  	_ =	shalt  }
0x72: {  	_ =	shalt  }
0x73: {  	_ =	shalt  }
0x74: {  	_ =	shalt  }
0x75: {  	_ =	shalt  }
0x76: {  	_ =	shalt  }
0x77: {  	_ =	shalt  }
0x78: {  	_ =	shalt  }
0x79: {  	_ =	shalt  }
0x7a: {  	_ =	shalt  }
0x7b: {  	_ =	shalt  }
0x7c: {  	_ =	shalt  }
0x7d: {  	_ =	shalt  }
0x7e: {  	_ =	shalt  }
0x7f: {  	_ =	shalt  }
0x80: {  	_ =	shalt  }
0x81: {  	_ =	shalt  }
0x82: {  	_ =	shalt  }
0x83: {  	_ =	shalt  }
0x84: {  	_ =	shalt  }
0x85: {  	_ =	shalt  }
0x86: {  	_ =	shalt  }
0x87: {  	_ =	shalt  }
.Lfunc_end0:
.L_simem_size_0:
called_computation_lowered:
.L_overlay_start_0:
0x88: {  	s2 =	sld [smem:$0x3FD9]  }
0x89: {  	s3 =	sld [smem:$0x3FFE];
	_ =	sdelay $0x1  }
0x8a: {  	s1 =	srdreg.scid  }
0x8b: {  	s0 =	sand.u32 $0x1, s1  }
0x8c: {  	s17 =	sshll.u32 s0, $0xA;
	s2 =	sadd.s32 s3, s2  }
0x8d: {  	s2 =	sadd.s32 s2, s17  }
0x8e: {  	[smem:$0x3FC6] =	sst s2  }
0x8f: {  	_ = 	snop  }
0x90: {  	s2 =	sld [smem:$0x3FC8];
	(tm) =	ssettm $0x1  }
0x91: {  	s18 =	sld [smem:$0x3FFB];
	_ =	sdelay $0x3  }
0x92: {  	_ =	strace s18  }
0x93: {  	s3 =	sld [smem:$0x3FFC];
	_ =	sdelay $0x3  }
0x94: {  	_ =	strace s3  }
0x95: {  	s3 =	sld [smem:$0x3FFD];
	_ =	sdelay $0x3  }
0x96: {  	_ =	strace s3  }
0x97: {  	_ =	strace $0x8FFFFFFF  }
0x98: {  	s19 =	sld [smem:$0x3FDB];
	_ =	sdelay $0x1  }
0x99: {  	s4 =	simm.s32 $_scs_section_size  }
0x9a: {  	s5 =	simm.s32 $_size__tile_overlayer_lowered;
	s6 =	simm.s32 $_tile_overlayer_lowered  }
0x9b: {  	s22 =	simm.s32 $0x1BFF;
	s21 =	sshll.u32 s6, $0x1;
	s3 =	sadd.s32 s4, s19  }
0x9c: {  	s7 =	simm.s32 $0x0;
	s20 =	sshll.u32 s5, $0x1;
	s5 =	sadd.s32 s21, s3  }
0x9d: {  	[timem:s7], [sflag:s22] =	dma.local [hbm:s5], s20  }
0x9e: {  	_ =	swait.ge [sflag:s22], s20  }
0x9f: {  	s4 =	ssub.s32 $0x0, s20;
	[sflag:s22] =	ssyncset.done $0x0  }
0xa0: {  	[sflag:s22] =	ssyncadd.s32 s4;
	_ =	sdelay $0x1  }
0xa1: {  	s23 =	simm.s32 $0x1B8B  }
0xa2: {  	_ =	swait.ge [sflag:s23], $0x1  }
0xa3: {  	[sflag:s23] =	ssyncset.done $0x0  }
0xa4: {  	s25 =	simm.s32 $0x1B8E;
	s24 =	sld [smem:$0x3FFE];
	[sflag:s23] =	ssyncadd.s32 $0xFFFFFFFF  }
0xa5: {  	s26 =	simm.s32 $execute0_lowered;
	[smem:$0x3FD2] =	sst s25  }
0xa6: {  	s5 =	sshll.u32 s26, $0x1;
	_ =	strace $0x80000046;
	[dreg:$0x1] =	wrdreg $0xFFFFFFFF  }
0xa7: {  	s28 =	simm.s32 $_size_execute0_lowered;
	s3 =	sadd.s32 s3, s5;
	[dreg:$0x0] =	wrdreg $0x0  }
0xa8: {  	s5 =	sshll.u32 s28, $0x1;
	[dreg:$0x2] =	wrdreg s3  }
0xa9: {  	[dreg:$0x3] =	wrdreg s5  }
0xaa: {  	[dreg:$0x4] =	wrdreg $0xC0  }
0xab: {  	_ =	task [dreg:s7], $0x5FFFF  }
0xac: {  	[dreg:$0x1] =	wrdreg $0xFFFFFFFF  }
0xad: {  	[dreg:$0x0] =	wrdreg $0x60  }
0xae: {  	[dreg:$0x2] =	wrdreg s24  }
0xaf: {  	[dreg:$0x3] =	wrdreg s2  }
0xb0: {  	[dreg:$0x4] =	wrdreg $0x9  }
0xb1: {  	_ =	task.clear_ibuf [dreg:s7], $0x5FFFF;
	_ =	strace $0x90000046  }
0xb2: {  	s29 =	simm.s32 $0x9;
	_ =	strace $0x80000048  }
0xb3: {  	_ =	swait.ge [sflag:s29], $0x1  }
0xb4: {  	[sflag:s29] =	ssyncadd.s32 $0xFFFFFFFF  }
0xb5: {  	_ =	strace $0x90000048  }
0xb6: {  	_ =	sfence  }
0xb7: {  	s30 =	sld [smem:$0x0];
	_ =	sdelay $0x2  }
0xb8: {  	s31 =	sshll.u32 s1, $0xD;
	s1 =	sshrl.u32 s1, $0x2  }
0xb9: {  	s3 =	sand.u32 $0x4000, s31;
	s1 =	sadd.s32 s1, s30  }
0xba: {  	s0 =	sor.u32 s3, s0;
	s1 =	sshll.u32 s1, $0x11  }
0xbb: {  	s0 =	sor.u32 s1, s0  }
0xbc: {  	s0 =	sadd.s32 $0x8F2B, s0  }
0xbd: {  	[sflag:s0] =	ssyncadd.remote.s32 $0x1  }
0xbe: {  	_ =	sfence.sel $0xFFFF  }
0xbf: {  	[dreg:$0x0] =	wrdreg $0xFFFFFFFF;
	(pc) =	sbr.abs _section_cstart, $3  }
0xc0: {  	[dreg:$0x1] =	wrdreg $0xFFFFFFFF  }
0xc1: {  	_ =	task.clear_ibuf [dreg:s7], $0x2FFFF;
	_ =	strace $0x9FFFFFFF  }
0xc2: {  	(tm) =	ssettm $0x7FFFFFFF  }
0xc3: {  	_ =	shalt  }
tec
execute0_lowered:
.L_overlay_start_1:
0x0: {  	(tag) =	ssettag $0x1  }
0x1: {  	s7 =	rddreg [dreg:$0x0]  }
0x2: {  	s2 =	rddreg [dreg:$0x1]  }
0x3: {  	s0 =	rddreg [dreg:$0x2]  }
0x4: {  	s3 =	simm.s32 $0x0;
	s4 =	srdreg.scid;
	s1 =	stileid.u32  }
0x5: {  	s11 =	simm.s32 $0x1;
	s12 =	simm.s32 $0x10400;
	s13 =	simm.s32 $0x12400  }
0x6: {  	s14 =	simm.s32 $0x0;
	[smem:$0x7FF] =	sst s3;
	s6 =	sand.u32 $0x1, s4  }
0x7: {  	s5 =	sshll.u32 s1, $0x1;
	s4 =	sadd.s32 $0x1400, s7;
	_ =	strace $0x80000047  }
0x8: {  	s8 =	sor.u32 s6, s5;
	s5 =	sadd.s32 $0x1200, s7;
	s10 =	ssub.s32 $0x2, s6  }
0x9: {  	s6 =	sadd.s32 $0x1001400, s7;
	s9 =	sshll.u32 s8, $0x4;
	s31 =	sshrl.u32 s10, $0x1  }
0xa: {  	v0 =	vlaneseq.u32;
	s9 =	sadd.s32 s9, s7;
	s10 =	ssub.s32 s10, s31;
	s7 =	smul.u32 $0x2C00, s8  }
0xb: {  	v0 =	vmul.u32 $0x80, v0;
	s8 =	sadd.s32 $0x1001800, s9;
	s9 =	smax.u32 s10, $0x1;
	s10 =	simm.s32 $0x10200  }
.LBB2_1:
0xc: {  	[tilespmem:s10], [sflag:$0x1] =	stream.linear.gather [hbm4b:s5+s3], $0x200, $0x38;
	[tilespmem:$0x12480] =	vst v63  }
0xd: {  	_ =	swait.ge [sflag:s11], $0x200  }
0xe: {  	[sflag:s11] =	ssyncset.done $0x0  }
0xf: {  	[sflag:s11] =	ssyncadd.s32 $0xFFFFFE00  }
0x10: {  	[tilespmem:s12], [sflag:$0x1] =	stream.linear.gather [hbm4b:s6+s3], $0x2000, $0x38;
	[tilespmem:$0x12480] =	vst v63  }
0x11: {  	_ =	swait.ge [sflag:s11], $0x2000  }
0x12: {  	[sflag:s11] =	ssyncset.done $0x0  }
0x13: {  	v27 =	vimm.f32 $0.0e+00;
	s15 =	simm.s32 $0x0;
	[sflag:s11] =	ssyncadd.s32 $0xFFFFE000  }
.LBB2_2:
0x14: {  	s16 =	sshll.u32 s15, $0x9  }
0x15: {  	s16 =	sadd.s32 s7, s16  }
0x16: {  	s17 =	sshll.u32 s16, $0x4  }
0x17: {  	s18 =	simm.s32 $0x0;
	s17 =	sadd.s32 s4, s17  }
0x18: {  	[tilespmem:s18], [sflag:$0x1] =	stream.linear.gather [hbm4b:s17+s18], $0x10000, $0x38;
	[tilespmem:$0x12480] =	vst v63  }
0x19: {  	_ =	swait.ge [sflag:s11], $0x10000  }
0x1a: {  	v5 =	vmov s18;
	s16 =	sshrl.u32 s16, $0x3;
	[sflag:s11] =	ssyncset.done $0x0  }
0x1b: {  	s30 =	simm.s32 $0x10000;
	v5 =	vshll.u32 v5, $0x7;
	s16 =	sadd.s32 s2, s16;
	[sflag:s11] =	ssyncadd.s32 $0xFFFF0000  }
0x1c: {  	v36 =	vor.u32 v0, v5;
	[tilespmem:s30], [sflag:$0x1] =	stream.linear.gather [hbm4b:s16+s18], $0x200, $0x38;
	[tilespmem:$0x12480] =	vst v63  }
0x1d: {  	v13 =	vor.u32 $0x6, v36;
	_ =	swait.ge [sflag:s11], $0x200  }
0x1e: {  	v17 =	vor.u32 $0x2, v36;
	[sflag:s11] =	ssyncset.done $0x0  }
0x1f: {  	v37 =	vor.u32 $0x7, v36;
	[sflag:s11] =	ssyncadd.s32 $0xFFFFFE00  }
0x20: {  	v19 =	vor.u32 $0x4, v36;
	v1 =	vld [tilespmem:s30+$0x0]  }
0x21: {  	v41 =	vor.u32 $0xC, v36;
	v40 =	vld.idx.msk [tilespmem:v36+s3+$0x0], $0xffff  }
0x22: {  	v38 =	vor.u32 $0x8, v36;
	v49 =	vld.idx.msk [tilespmem:v13+s3+$0x0], $0xffff  }
0x23: {  	v50 =	vor.u32 $0x9, v36;
	v51 =	vld.idx.msk [tilespmem:v17+s3+$0x0], $0xffff  }
0x24: {  	v39 =	vor.u32 $0xA, v36;
	v37 =	vld.idx.msk [tilespmem:v37+s3+$0x0], $0xffff  }
0x25: {  	v42 =	vor.u32 $0xD, v36;
	v53 =	vld.idx.msk [tilespmem:v19+s3+$0x0], $0xffff  }
0x26: {  	v46 =	vor.u32 $0xE, v36;
	v41 =	vld.idx.msk [tilespmem:v41+s3+$0x0], $0xffff  }
0x27: {  	v43 =	vor.u32 $0xF, v36;
	v38 =	vld.idx.msk [tilespmem:v38+s3+$0x0], $0xffff  }
0x28: {  	v30 =	vor.u32 $0x11, v36;
	v50 =	vld.idx.msk [tilespmem:v50+s3+$0x0], $0xffff  }
0x29: {  	v26 =	vor.u32 $0x12, v36;
	v39 =	vld.idx.msk [tilespmem:v39+s3+$0x0], $0xffff  }
0x2a: {  	v24 =	vor.u32 $0x13, v36;
	v42 =	vld.idx.msk [tilespmem:v42+s3+$0x0], $0xffff  }
0x2b: {  	v46 =	vld.idx.msk [tilespmem:v46+s3+$0x0], $0xffff  }
0x2c: {  	v43 =	vld.idx.msk [tilespmem:v43+s3+$0x0], $0xffff;
	v32 =	vmul.u32 $0x14, v1  }
0x2d: {  	v30 =	vld.idx.msk [tilespmem:v30+s3+$0x0], $0xffff;
	v40 =	vadd.f32 $1.000000020e-16, v40  }
0x2e: {  	v26 =	vld.idx.msk [tilespmem:v26+s3+$0x0], $0xffff;
	v51 =	vadd.f32 $1.000000020e-16, v51;
	v49 =	vadd.f32 $1.000000020e-16, v49;
	v1 =	vadd.s32 $0xA, v32  }
0x2f: {  	v24 =	vld.idx.msk [tilespmem:v24+s3+$0x0], $0xffff;
	v37 =	vadd.f32 $1.000000020e-16, v37;
	v53 =	vadd.f32 $1.000000020e-16, v53  }
0x30: {  	v38 =	vadd.f32 $1.000000020e-16, v38;
	v50 =	vadd.f32 $1.000000020e-16, v50;
	v4 =	vadd.s32 $0x7, v32  }
0x31: {  	v39 =	vadd.f32 $1.000000020e-16, v39;
	v41 =	vadd.f32 $1.000000020e-16, v41  }
0x32: {  	v44 =	vor.u32 $0x10, v36;
	v42 =	vadd.f32 $1.000000020e-16, v42;
	v46 =	vadd.f32 $1.000000020e-16, v46  }
0x33: {  	v43 =	vadd.f32 $1.000000020e-16, v43;
	v30 =	vadd.f32 $1.000000020e-16, v30;
	v18 =	vld.idx.msk [tilespmem:v1+s10+$0x0], $0xffff;
	v1 =	vor.u32 $0x1, v36  }
0x34: {  	v26 =	vadd.f32 $1.000000020e-16, v26;
	v24 =	vadd.f32 $1.000000020e-16, v24;
	v3 =	vadd.s32 $0x4, v32  }
0x35: {  	v33 =	vor.u32 $0x1, v32;
	v34 =	vor.u32 $0x3, v32;
	v22 =	vld.idx.msk [tilespmem:v4+s10+$0x0], $0xffff;
	v4 =	vor.u32 $0x3, v36  }
0x36: {  	v35 =	vadd.s32 $0x5, v32;
	v2 =	vor.u32 $0x2, v32;
	v29 =	vadd.s32 $0x6, v32  }
0x37: {  	v25 =	vadd.s32 $0x8, v32;
	v23 =	vadd.s32 $0x9, v32;
	v21 =	vadd.s32 $0xB, v32  }
0x38: {  	v16 =	vadd.s32 $0xC, v32;
	v15 =	vadd.s32 $0xD, v32;
	v14 =	vadd.s32 $0xE, v32;
	v45 =	vld.idx.msk [tilespmem:v1+s3+$0x0], $0xffff  }
0x39: {  	v12 =	vadd.s32 $0xF, v32;
	v52 =	vshrl.u32 v40, $0xA;
	v28 =	vld.idx.msk [tilespmem:v3+s10+$0x0], $0xffff;
	v3 =	vor.u32 $0x5, v36  }
0x3a: {  	v11 =	vadd.s32 $0x10, v32;
	v9 =	vadd.s32 $0x11, v32;
	v52 =	vand.u32 $0x1FFF, v52;
	v47 =	vld.idx.msk [tilespmem:v4+s3+$0x0], $0xffff  }
0x3b: {  	v10 =	vadd.s32 $0x12, v32;
	v20 =	vadd.s32 $0x13, v32;
	v40 =	vcvt.s32.f32 v40  }
0x3c: {  	s16 =	simm.s32 $0x10010;
	v56 =	vshrl.u32 v51, $0xA;
	v58 =	vshrl.u32 v49, $0xA;
	v59 =	vcvt.s32.f32 v37  }
0x3d: {  	v5 =	vld [tilespmem:s16+$0x0];
	v51 =	vcvt.s32.f32 v51;
	v60 =	vshrl.u32 v53, $0xA;
	v45 =	vadd.f32 $1.000000020e-16, v45  }
0x3e: {  	v37 =	vshrl.u32 v37, $0xA;
	v61 =	vshrl.u32 v38, $0xA;
	v53 =	vcvt.s32.f32 v53;
	v48 =	vld.idx.msk [tilespmem:v3+s3+$0x0], $0xffff  }
0x3f: {  	v38 =	vcvt.s32.f32 v38;
	v52 =	vld.idx.msk [tilespmem:v52+s12+$0x0], $0xffff;
	v47 =	vadd.f32 $1.000000020e-16, v47;
	v54 =	vshrl.u32 v45, $0xA  }
0x40: {  	v62 =	vcvt.s32.f32 v49;
	v58 =	vand.u32 $0x1FFF, v58;
	v54 =	vand.u32 $0x1FFF, v54  }
0x41: {  	v61 =	vand.u32 $0x1FFF, v61;
	v32 =	vld.idx.msk [tilespmem:v32+s10+$0x0], $0xffff;
	v55 =	vcvt.s32.f32 v47;
	v47 =	vshrl.u32 v47, $0xA  }
0x42: {  	v37 =	vand.u32 $0x1FFF, v37;
	v40 =	vmul.f32 $1.192092900e-07, v40;
	v31 =	vld.idx.msk [tilespmem:v2+s10+$0x0], $0xffff;
	v47 =	vand.u32 $0x1FFF, v47  }
0x43: {  	v36 =	vor.u32 $0xB, v36;
	v33 =	vld.idx.msk [tilespmem:v33+s10+$0x0], $0xffff;
	v1 =	vmul.u32 $0x14, v5;
	v48 =	vadd.f32 $1.000000020e-16, v48  }
0x44: {  	v38 =	vmul.f32 $1.192092900e-07, v38;
	v29 =	vld.idx.msk [tilespmem:v29+s10+$0x0], $0xffff;
	v40 =	vadd.f32 v40, v52;
	v52 =	vand.u32 $0x1FFF, v56  }
0x45: {  	v6 =	vor.u32 $0x1, v1;
	v7 =	vor.u32 $0x3, v1;
	v57 =	vshrl.u32 v48, $0xA;
	v54 =	vld.idx.msk [tilespmem:v54+s12+$0x0], $0xffff  }
0x46: {  	v58 =	vld.idx.msk [tilespmem:v58+s12+$0x0], $0xffff;
	v8 =	vadd.s32 $0x5, v1;
	v45 =	vcvt.s32.f32 v45;
	v57 =	vand.u32 $0x1FFF, v57  }
0x47: {  	v13 =	vor.u32 $0x2, v1;
	v17 =	vadd.s32 $0x4, v1;
	v4 =	vadd.s32 $0x6, v1;
	v47 =	vld.idx.msk [tilespmem:v47+s12+$0x0], $0xffff  }
0x48: {  	v36 =	vld.idx.msk [tilespmem:v36+s3+$0x0], $0xffff;
	v3 =	vadd.s32 $0x8, v1;
	v2 =	vadd.s32 $0x9, v1;
	v45 =	vmul.f32 $1.192092900e-07, v45  }
0x49: {  	v5 =	vadd.s32 $0x7, v1;
	v32 =	vmul.f32 v40, v32;
	v40 =	vmul.f32 $1.192092900e-07, v62  }
0x4a: {  	v63 =	vmul.f32 $1.192092900e-07, v55;
	v55 =	vcvt.s32.f32 v48;
	v48 =	vld.idx.msk [tilespmem:v61+s12+$0x0], $0xffff;
	v45 =	vadd.f32 v45, v54  }
0x4b: {  	v19 =	vadd.s32 $0xA, v1;
	v40 =	vadd.f32 v40, v58;
	v56 =	vld.idx.msk [tilespmem:v57+s12+$0x0], $0xffff;
	v57 =	vand.u32 $0x1FFF, v60  }
0x4c: {  	v27 =	vadd.f32 v32, v27;
	v33 =	vmul.f32 v45, v33;
	v45 =	vadd.f32 v63, v47;
	v47 =	vld.idx.msk [tilespmem:v52+s12+$0x0], $0xffff  }
0x4d: {  	v25 =	vld.idx.msk [tilespmem:v25+s10+$0x0], $0xffff;
	v36 =	vadd.f32 $1.000000020e-16, v36;
	v29 =	vmul.f32 v40, v29;
	v61 =	vshrl.u32 v39, $0xA  }
0x4e: {  	v39 =	vcvt.s32.f32 v39;
	v32 =	vmul.f32 $1.192092900e-07, v55;
	v55 =	vand.u32 $0x1FFF, v61  }
0x4f: {  	v34 =	vld.idx.msk [tilespmem:v34+s10+$0x0], $0xffff;
	v61 =	vshrl.u32 v41, $0xA;
	v54 =	vmul.f32 $1.192092900e-07, v59;
	v59 =	vmul.f32 $1.192092900e-07, v51  }
0x50: {  	v60 =	vcvt.s32.f32 v50;
	v50 =	vshrl.u32 v50, $0xA;
	v38 =	vadd.f32 v38, v48;
	v62 =	vld.idx.msk [tilespmem:v57+s12+$0x0], $0xffff  }
0x51: {  	v39 =	vmul.f32 $1.192092900e-07, v39;
	v49 =	vand.u32 $0x1FFF, v50;
	v47 =	vadd.f32 v59, v47  }
0x52: {  	v25 =	vmul.f32 v38, v25;
	v32 =	vadd.f32 v32, v56;
	v57 =	vshrl.u32 v36, $0xA  }
0x53: {  	v35 =	vld.idx.msk [tilespmem:v35+s10+$0x0], $0xffff;
	v63 =	vmul.f32 $1.192092900e-07, v53;
	v27 =	vadd.f32 v33, v27;
	v31 =	vmul.f32 v47, v31  }
0x54: {  	v44 =	vld.idx.msk [tilespmem:v44+s3+$0x0], $0xffff;
	v56 =	vmul.f32 $1.192092900e-07, v60;
	v60 =	vcvt.s32.f32 v42;
	v58 =	vand.u32 $0x1FFF, v57  }
0x55: {  	v37 =	vld.idx.msk [tilespmem:v37+s12+$0x0], $0xffff;
	v34 =	vmul.f32 v45, v34;
	v33 =	vadd.f32 v63, v62;
	v27 =	vadd.f32 v31, v27  }
0x56: {  	v36 =	vcvt.s32.f32 v36;
	v51 =	vcvt.s32.f32 v41;
	v49 =	vld.idx.msk [tilespmem:v49+s12+$0x0], $0xffff;
	v62 =	vand.u32 $0x1FFF, v61  }
0x57: {  	v45 =	vld.idx.msk [tilespmem:v55+s12+$0x0], $0xffff;
	v28 =	vmul.f32 v33, v28;
	v31 =	vshrl.u32 v42, $0xA;
	v27 =	vadd.f32 v34, v27  }
0x58: {  	v57 =	vld.idx.msk [tilespmem:v16+s10+$0x0], $0xffff;
	v16 =	vadd.s32 $0xB, v1;
	v32 =	vmul.f32 v32, v35;
	v31 =	vand.u32 $0x1FFF, v31  }
0x59: {  	v23 =	vld.idx.msk [tilespmem:v23+s10+$0x0], $0xffff;
	v36 =	vmul.f32 $1.192092900e-07, v36;
	v47 =	vshrl.u32 v46, $0xA;
	v27 =	vadd.f32 v28, v27  }
0x5a: {  	v52 =	vshrl.u32 v43, $0xA;
	v63 =	vadd.f32 $1.000000020e-16, v44;
	v35 =	vld.idx.msk [tilespmem:v58+s12+$0x0], $0xffff;
	v34 =	vand.u32 $0x1FFF, v47  }
0x5b: {  	v58 =	vcvt.s32.f32 v46;
	v33 =	vld.idx.msk [tilespmem:v62+s12+$0x0], $0xffff;
	v28 =	vadd.f32 v54, v37;
	v27 =	vadd.f32 v32, v27  }
0x5c: {  	v21 =	vld.idx.msk [tilespmem:v21+s10+$0x0], $0xffff;
	v59 =	vadd.f32 v56, v49;
	v56 =	vshrl.u32 v30, $0xA;
	v50 =	vadd.f32 v39, v45  }
0x5d: {  	v22 =	vmul.f32 v28, v22;
	v28 =	vand.u32 $0x1FFF, v52;
	v31 =	vld.idx.msk [tilespmem:v31+s12+$0x0], $0xffff;
	v27 =	vadd.f32 v29, v27  }
0x5e: {  	v23 =	vmul.f32 v59, v23;
	v54 =	vshrl.u32 v63, $0xA;
	v29 =	vmul.f32 $1.192092900e-07, v51  }
0x5f: {  	v59 =	vshrl.u32 v26, $0xA;
	v55 =	vand.u32 $0x1FFF, v54;
	v34 =	vld.idx.msk [tilespmem:v34+s12+$0x0], $0xffff;
	v22 =	vadd.f32 v22, v27  }
0x60: {  	v15 =	vld.idx.msk [tilespmem:v15+s10+$0x0], $0xffff;
	v53 =	vadd.f32 v36, v35;
	v27 =	vadd.f32 v29, v33;
	v29 =	vmul.f32 $1.192092900e-07, v60  }
0x61: {  	v18 =	vmul.f32 v50, v18;
	v35 =	vand.u32 $0x1FFF, v56;
	v22 =	vadd.f32 v25, v22  }
0x62: {  	v21 =	vmul.f32 v53, v21;
	v28 =	vld.idx.msk [tilespmem:v28+s12+$0x0], $0xffff;
	v25 =	vadd.f32 v29, v31;
	v29 =	vmul.f32 $1.192092900e-07, v58  }
0x63: {  	v62 =	vld.idx.msk [tilespmem:v11+s10+$0x0], $0xffff;
	v31 =	vcvt.s32.f32 v43;
	v27 =	vmul.f32 v27, v57;
	v22 =	vadd.f32 v23, v22  }
0x64: {  	v32 =	vld.idx.msk [tilespmem:v55+s12+$0x0], $0xffff;
	v23 =	vcvt.s32.f32 v26;
	v26 =	vand.u32 $0x1FFF, v59;
	v29 =	vadd.f32 v29, v34  }
0x65: {  	v60 =	vld.idx.msk [tilespmem:v14+s10+$0x0], $0xffff;
	v31 =	vmul.f32 $1.192092900e-07, v31;
	v11 =	vmul.f32 v25, v15;
	v14 =	vadd.f32 v18, v22  }
0x66: {  	v15 =	vadd.s32 $0xD, v1;
	v18 =	vcvt.s32.f32 v63;
	v22 =	vcvt.s32.f32 v30;
	v30 =	vld.idx.msk [tilespmem:v35+s12+$0x0], $0xffff  }
0x67: {  	v61 =	vld.idx.msk [tilespmem:v12+s10+$0x0], $0xffff;
	v28 =	vadd.f32 v31, v28;
	v31 =	vshrl.u32 v24, $0xA;
	v12 =	vadd.f32 v21, v14  }
0x68: {  	v25 =	vld.idx.msk [tilespmem:v9+s10+$0x0], $0xffff;
	v9 =	vadd.s32 $0x11, v1;
	v31 =	vand.u32 $0x1FFF, v31;
	v14 =	vmul.f32 $1.192092900e-07, v18  }
0x69: {  	v21 =	vcvt.s32.f32 v24;
	v22 =	vmul.f32 $1.192092900e-07, v22;
	v36 =	vld.idx.msk [tilespmem:v26+s12+$0x0], $0xffff;
	v24 =	vadd.f32 v27, v12  }
0x6a: {  	v29 =	vmul.f32 v29, v60;
	v18 =	vadd.s32 $0xC, v1;
	v26 =	vadd.f32 v14, v32  }
0x6b: {  	v14 =	vadd.s32 $0xE, v1;
	v63 =	vadd.f32 v11, v24;
	v24 =	vadd.f32 v22, v30;
	v22 =	vld.idx.msk [tilespmem:v10+s10+$0x0], $0xffff  }
0x6c: {  	v12 =	vadd.s32 $0xF, v1;
	v27 =	vmul.f32 v28, v61;
	v28 =	vmul.f32 $1.192092900e-07, v23  }
0x6d: {  	s31 =	simm.s32 $0x10;
	v11 =	vadd.s32 $0x10, v1;
	v10 =	vadd.s32 $0x12, v1;
	v23 =	vld.idx.msk [tilespmem:v31+s12+$0x0], $0xffff;
	v29 =	vadd.f32 v29, v63  }
0x6e: {  	s17 =	simm.s32 $0x20;
	v20 =	vld.idx.msk [tilespmem:v20+s10+$0x0], $0xffff;
	v30 =	vmov s31;
	v26 =	vmul.f32 v26, v62;
	v28 =	vadd.f32 v28, v36  }
.LBB2_3:
0x6f: {  	p0 =	sne.s32 s17, $0x1F0;
	v30 =	vshll.u32 v30, $0x7;
	v27 =	vadd.f32 v27, v29;
	v29 =	vmul.f32 $1.192092900e-07, v21;
	s18 =	smov.u32 s17;
	s17 =	sadd.s32 $0x10, s17  }
0x70: {  	v33 =	vor.u32 v0, v30;
	v21 =	vld.idx.msk [tilespmem:v19+s10+$0x0], $0xffff;
	v19 =	vmul.f32 v24, v25;
	v24 =	vmul.f32 v28, v22  }
0x71: {  	v28 =	vor.u32 $0x1, v33;
	v32 =	vor.u32 $0x2, v33;
	v22 =	vld.idx.msk [tilespmem:v5+s10+$0x0], $0xffff;
	v5 =	vadd.f32 v26, v27  }
0x72: {  	s16 =	sadd.s32 $0x10, s16;
	v34 =	vor.u32 $0x4, v33;
	v23 =	vadd.f32 v29, v23;
	v25 =	vld.idx.msk [tilespmem:v17+s10+$0x0], $0xffff;
	v17 =	vor.u32 $0x5, v33  }
0x73: {  	v35 =	vor.u32 $0x3, v33;
	v36 =	vor.u32 $0x7, v33;
	v37 =	vor.u32 $0x8, v33;
	v29 =	vld [tilespmem:s16+$0x0]  }
0x74: {  	v38 =	vor.u32 $0xA, v33;
	v5 =	vadd.f32 v19, v5;
	v26 =	vld.idx.msk [tilespmem:v13+s10+$0x0], $0xffff;
	v13 =	vor.u32 $0x6, v33  }
0x75: {  	v39 =	vor.u32 $0xC, v33;
	v40 =	vor.u32 $0xD, v33;
	v20 =	vmul.f32 v23, v20;
	v19 =	vld.idx.msk [tilespmem:v33+s3+$0x0], $0xffff  }
0x76: {  	v31 =	vor.u32 $0x10, v33;
	v5 =	vadd.f32 v24, v5;
	v41 =	vld.idx.msk [tilespmem:v28+s3+$0x0], $0xffff;
	v28 =	vor.u32 $0xF, v33  }
0x77: {  	v30 =	vor.u32 $0xE, v33;
	v27 =	vor.u32 $0x11, v33;
	v24 =	vor.u32 $0x12, v33;
	v42 =	vld.idx.msk [tilespmem:v17+s3+$0x0], $0xffff  }
0x78: {  	v23 =	vor.u32 $0x13, v33;
	v44 =	vadd.f32 v20, v5;
	v43 =	vmul.u32 $0x14, v29;
	v35 =	vld.idx.msk [tilespmem:v35+s3+$0x0], $0xffff  }
0x79: {  	v20 =	vadd.s32 $0x13, v1;
	v45 =	vld.idx.msk [tilespmem:v13+s3+$0x0], $0xffff  }
0x7a: {  	v46 =	vor.u32 $0x1, v43;
	v47 =	vor.u32 $0x3, v43;
	v48 =	vadd.s32 $0x5, v43;
	v36 =	vld.idx.msk [tilespmem:v36+s3+$0x0], $0xffff  }
0x7b: {  	v51 =	vor.u32 $0x9, v33;
	v13 =	vor.u32 $0x2, v43;
	v49 =	vadd.f32 $1.000000020e-16, v19;
	v50 =	vld.idx.msk [tilespmem:v32+s3+$0x0], $0xffff  }
0x7c: {  	v17 =	vadd.s32 $0x4, v43;
	v52 =	vadd.s32 $0x6, v43;
	v32 =	vadd.s32 $0x8, v43;
	v39 =	vld.idx.msk [tilespmem:v39+s3+$0x0], $0xffff  }
0x7d: {  	v29 =	vadd.s32 $0x9, v43;
	v41 =	vadd.f32 $1.000000020e-16, v41;
	v19 =	vshrl.u32 v49, $0xA;
	v34 =	vld.idx.msk [tilespmem:v34+s3+$0x0], $0xffff  }
0x7e: {  	v5 =	vadd.s32 $0x7, v43;
	v53 =	vand.u32 $0x1FFF, v19;
	v35 =	vadd.f32 $1.000000020e-16, v35;
	v20 =	vld.idx.msk [tilespmem:v20+s10+$0x0], $0xffff  }
0x7f: {  	v33 =	vor.u32 $0xB, v33;
	v19 =	vadd.s32 $0xA, v43;
	v54 =	vshrl.u32 v41, $0xA;
	v37 =	vld.idx.msk [tilespmem:v37+s3+$0x0], $0xffff  }
0x80: {  	v49 =	vcvt.s32.f32 v49;
	v55 =	vcvt.s32.f32 v35;
	v35 =	vshrl.u32 v35, $0xA;
	v51 =	vld.idx.msk [tilespmem:v51+s3+$0x0], $0xffff  }
0x81: {  	v42 =	vadd.f32 $1.000000020e-16, v42;
	v54 =	vand.u32 $0x1FFF, v54;
	v50 =	vadd.f32 $1.000000020e-16, v50;
	v56 =	vld.idx.msk [tilespmem:v8+s10+$0x0], $0xffff;
	v8 =	vmovc v48  }
0x82: {  	v45 =	vadd.f32 $1.000000020e-16, v45;
	v36 =	vadd.f32 $1.000000020e-16, v36;
	v35 =	vand.u32 $0x1FFF, v35;
	v48 =	vld.idx.msk [tilespmem:v7+s10+$0x0], $0xffff;
	v7 =	vmovc v47  }
0x83: {  	v57 =	vshrl.u32 v42, $0xA;
	v34 =	vadd.f32 $1.000000020e-16, v34;
	v47 =	vld.idx.msk [tilespmem:v53+s12+$0x0], $0xffff;
	v53 =	vshrl.u32 v50, $0xA  }
0x84: {  	v57 =	vand.u32 $0x1FFF, v57;
	v59 =	vshrl.u32 v45, $0xA;
	v60 =	vcvt.s32.f32 v36;
	v58 =	vld.idx.msk [tilespmem:v6+s10+$0x0], $0xffff;
	v6 =	vmovc v46  }
0x85: {  	v59 =	vand.u32 $0x1FFF, v59;
	v50 =	vcvt.s32.f32 v50;
	v37 =	vadd.f32 $1.000000020e-16, v37;
	v46 =	vld.idx.msk [tilespmem:v1+s10+$0x0], $0xffff;
	v1 =	vmovc v43  }
0x86: {  	v41 =	vcvt.s32.f32 v41;
	v51 =	vadd.f32 $1.000000020e-16, v51;
	v43 =	vld.idx.msk [tilespmem:v54+s12+$0x0], $0xffff;
	v54 =	vshrl.u32 v34, $0xA  }
0x87: {  	v49 =	vmul.f32 $1.192092900e-07, v49;
	v36 =	vshrl.u32 v36, $0xA;
	v61 =	vshrl.u32 v37, $0xA;
	v38 =	vld.idx.msk [tilespmem:v38+s3+$0x0], $0xffff  }
0x88: {  	v41 =	vmul.f32 $1.192092900e-07, v41;
	v34 =	vcvt.s32.f32 v34;
	v61 =	vand.u32 $0x1FFF, v61;
	v35 =	vld.idx.msk [tilespmem:v35+s12+$0x0], $0xffff  }
0x89: {  	v37 =	vcvt.s32.f32 v37;
	v47 =	vadd.f32 v49, v47;
	v49 =	vand.u32 $0x1FFF, v53;
	v53 =	vld.idx.msk [tilespmem:v57+s12+$0x0], $0xffff  }
0x8a: {  	v54 =	vand.u32 $0x1FFF, v54;
	v57 =	vld.idx.msk [tilespmem:v59+s12+$0x0], $0xffff;
	v59 =	vcvt.s32.f32 v51;
	v51 =	vshrl.u32 v51, $0xA  }
0x8b: {  	v45 =	vcvt.s32.f32 v45;
	v46 =	vmul.f32 v47, v46;
	v47 =	vand.u32 $0x1FFF, v51;
	v40 =	vld.idx.msk [tilespmem:v40+s3+$0x0], $0xffff  }
0x8c: {  	v41 =	vadd.f32 v41, v43;
	v43 =	vmul.f32 $1.192092900e-07, v55;
	v51 =	vmul.f32 $1.192092900e-07, v60;
	v33 =	vld.idx.msk [tilespmem:v33+s3+$0x0], $0xffff  }
0x8d: {  	v42 =	vcvt.s32.f32 v42;
	v44 =	vadd.f32 v46, v44;
	v38 =	vadd.f32 $1.000000020e-16, v38;
	v46 =	vld.idx.msk [tilespmem:v61+s12+$0x0], $0xffff  }
0x8e: {  	v41 =	vmul.f32 v41, v58;
	v35 =	vadd.f32 v43, v35;
	v43 =	vmul.f32 $1.192092900e-07, v45;
	v49 =	vld.idx.msk [tilespmem:v49+s12+$0x0], $0xffff  }
0x8f: {  	v42 =	vmul.f32 $1.192092900e-07, v42;
	v45 =	vmul.f32 $1.192092900e-07, v50;
	v50 =	vld.idx.msk [tilespmem:v54+s12+$0x0], $0xffff;
	v54 =	vshrl.u32 v38, $0xA  }
0x90: {  	v34 =	vmul.f32 $1.192092900e-07, v34;
	v41 =	vadd.f32 v41, v44;
	v43 =	vadd.f32 v43, v57;
	v44 =	vld.idx.msk [tilespmem:v47+s12+$0x0], $0xffff  }
0x91: {  	v36 =	vand.u32 $0x1FFF, v36;
	v35 =	vmul.f32 v35, v48;
	v48 =	vand.u32 $0x1FFF, v54;
	v47 =	vld.idx.msk [tilespmem:v4+s10+$0x0], $0xffff;
	v4 =	vmovc v52  }
0x92: {  	v39 =	vadd.f32 $1.000000020e-16, v39;
	v37 =	vmul.f32 $1.192092900e-07, v37;
	v33 =	vadd.f32 $1.000000020e-16, v33;
	v31 =	vld.idx.msk [tilespmem:v31+s3+$0x0], $0xffff  }
0x93: {  	v42 =	vadd.f32 v42, v53;
	v40 =	vadd.f32 $1.000000020e-16, v40;
	v52 =	vmul.f32 $1.192092900e-07, v59;
	v30 =	vld.idx.msk [tilespmem:v30+s3+$0x0], $0xffff  }
0x94: {  	v37 =	vadd.f32 v37, v46;
	v45 =	vadd.f32 v45, v49;
	v46 =	vshrl.u32 v33, $0xA;
	v28 =	vld.idx.msk [tilespmem:v28+s3+$0x0], $0xffff  }
0x95: {  	v42 =	vmul.f32 v42, v56;
	v34 =	vadd.f32 v34, v50;
	v46 =	vand.u32 $0x1FFF, v46;
	v49 =	vld.idx.msk [tilespmem:v3+s10+$0x0], $0xffff;
	v3 =	vmovc v32  }
0x96: {  	v38 =	vcvt.s32.f32 v38;
	v32 =	vadd.f32 v52, v44;
	v44 =	vld.idx.msk [tilespmem:v48+s12+$0x0], $0xffff;
	v48 =	vcvt.s32.f32 v40  }
0x97: {  	v26 =	vmul.f32 v45, v26;
	v45 =	vshrl.u32 v39, $0xA;
	v43 =	vmul.f32 v43, v47;
	v36 =	vld.idx.msk [tilespmem:v36+s12+$0x0], $0xffff  }
0x98: {  	v25 =	vmul.f32 v34, v25;
	v45 =	vand.u32 $0x1FFF, v45;
	v31 =	vadd.f32 $1.000000020e-16, v31;
	v34 =	vld.idx.msk [tilespmem:v2+s10+$0x0], $0xffff;
	v2 =	vmovc v29  }
0x99: {  	v26 =	vadd.f32 v26, v41;
	v29 =	vshrl.u32 v40, $0xA;
	v30 =	vadd.f32 $1.000000020e-16, v30;
	v27 =	vld.idx.msk [tilespmem:v27+s3+$0x0], $0xffff  }
0x9a: {  	v38 =	vmul.f32 $1.192092900e-07, v38;
	v29 =	vand.u32 $0x1FFF, v29;
	v28 =	vadd.f32 $1.000000020e-16, v28;
	v40 =	vld.idx.msk [tilespmem:v46+s12+$0x0], $0xffff  }
0x9b: {  	v26 =	vadd.f32 v35, v26;
	v35 =	vmul.f32 v37, v49;
	v37 =	vshrl.u32 v30, $0xA  }
0x9c: {  	v33 =	vcvt.s32.f32 v33;
	v39 =	vcvt.s32.f32 v39;
	v38 =	vadd.f32 v38, v44;
	v16 =	vld.idx.msk [tilespmem:v16+s10+$0x0], $0xffff  }
0x9d: {  	v25 =	vadd.f32 v25, v26;
	v37 =	vand.u32 $0x1FFF, v37;
	v26 =	vadd.f32 v51, v36;
	v36 =	vld.idx.msk [tilespmem:v45+s12+$0x0], $0xffff  }
0x9e: {  	v33 =	vmul.f32 $1.192092900e-07, v33;
	v32 =	vmul.f32 v32, v34;
	v34 =	vshrl.u32 v28, $0xA;
	v24 =	vld.idx.msk [tilespmem:v24+s3+$0x0], $0xffff  }
0x9f: {  	v25 =	vadd.f32 v42, v25;
	v22 =	vmul.f32 v26, v22;
	v26 =	vld.idx.msk [tilespmem:v29+s12+$0x0], $0xffff;
	v29 =	vand.u32 $0x1FFF, v34  }
0xa0: {  	v21 =	vmul.f32 v38, v21;
	v27 =	vadd.f32 $1.000000020e-16, v27;
	v33 =	vadd.f32 v33, v40  }
0xa1: {  	v38 =	vshrl.u32 v31, $0xA;
	v25 =	vadd.f32 v43, v25;
	v34 =	vmul.f32 $1.192092900e-07, v39;
	v23 =	vld.idx.msk [tilespmem:v23+s3+$0x0], $0xffff  }
0xa2: {  	v38 =	vand.u32 $0x1FFF, v38;
	v33 =	vmul.f32 v33, v16;
	v16 =	vshrl.u32 v27, $0xA;
	v37 =	vld.idx.msk [tilespmem:v37+s12+$0x0], $0xffff  }
0xa3: {  	v22 =	vadd.f32 v22, v25;
	v25 =	vadd.f32 v34, v36;
	v34 =	vmul.f32 $1.192092900e-07, v48;
	v18 =	vld.idx.msk [tilespmem:v18+s10+$0x0], $0xffff  }
0xa4: {  	v30 =	vcvt.s32.f32 v30;
	v36 =	vand.u32 $0x1FFF, v16;
	v24 =	vadd.f32 $1.000000020e-16, v24;
	v29 =	vld.idx.msk [tilespmem:v29+s12+$0x0], $0xffff  }
0xa5: {  	v16 =	vadd.s32 $0xB, v1;
	v22 =	vadd.f32 v35, v22;
	v26 =	vadd.f32 v34, v26  }
0xa6: {  	v30 =	vmul.f32 $1.192092900e-07, v30;
	v28 =	vcvt.s32.f32 v28;
	v34 =	vshrl.u32 v24, $0xA;
	v15 =	vld.idx.msk [tilespmem:v15+s10+$0x0], $0xffff  }
0xa7: {  	v22 =	vadd.f32 v32, v22;
	v35 =	vcvt.s32.f32 v24;
	v24 =	vand.u32 $0x1FFF, v34;
	v32 =	vld.idx.msk [tilespmem:v38+s12+$0x0], $0xffff  }
0xa8: {  	v23 =	vadd.f32 $1.000000020e-16, v23;
	v30 =	vadd.f32 v30, v37;
	v34 =	vld.idx.msk [tilespmem:v14+s10+$0x0], $0xffff;
	v14 =	vmul.f32 $1.192092900e-07, v28  }
0xa9: {  	v27 =	vcvt.s32.f32 v27;
	v21 =	vadd.f32 v21, v22;
	v22 =	vcvt.s32.f32 v31;
	v28 =	vld.idx.msk [tilespmem:v36+s12+$0x0], $0xffff  }
0xaa: {  	v25 =	vmul.f32 v25, v18;
	v31 =	vld.idx.msk [tilespmem:v12+s10+$0x0], $0xffff;
	v29 =	vadd.f32 v14, v29;
	v12 =	vshrl.u32 v23, $0xA  }
0xab: {  	v14 =	vadd.f32 v33, v21;
	v33 =	vld.idx.msk [tilespmem:v11+s10+$0x0], $0xffff;
	v11 =	vmul.f32 $1.192092900e-07, v22;
	v36 =	vand.u32 $0x1FFF, v12  }
0xac: {  	v18 =	vadd.s32 $0xC, v1;
	v21 =	vcvt.s32.f32 v23;
	v26 =	vmul.f32 v26, v15;
	v37 =	vld.idx.msk [tilespmem:v24+s12+$0x0], $0xffff  }
0xad: {  	v23 =	vadd.f32 v25, v14;
	v32 =	vadd.f32 v11, v32;
	v11 =	vmul.f32 $1.192092900e-07, v27;
	v22 =	vld.idx.msk [tilespmem:v10+s10+$0x0], $0xffff  }
.Ltmp0:
0xae: {  	v15 =	vadd.s32 $0xD, v1;
	v14 =	vadd.s32 $0xE, v1;
	v30 =	vmul.f32 v30, v34;
	v25 =	vld.idx.msk [tilespmem:v9+s10+$0x0], $0xffff;
	(pc) =	sbr.rel @p0 .LBB2_3-.Ltmp0, $4  }
0xaf: {  	v12 =	vadd.s32 $0xF, v1;
	v26 =	vadd.f32 v26, v23;
	v24 =	vadd.f32 v11, v28  }
0xb0: {  	v11 =	vadd.s32 $0x10, v1;
	v27 =	vmul.f32 v29, v31;
	v28 =	vmul.f32 $1.192092900e-07, v35;
	v23 =	vld.idx.msk [tilespmem:v36+s12+$0x0], $0xffff  }
0xb1: {  	v10 =	vadd.s32 $0x12, v1;
	v9 =	vadd.s32 $0x11, v1;
	v29 =	vadd.f32 v30, v26  }
0xb2: {  	v30 =	vmov s18;
	v26 =	vmul.f32 v32, v33;
	v28 =	vadd.f32 v28, v37  }
0xb3: {  	v30 =	vshll.u32 v30, $0x7  }
0xb4: {  	v30 =	vor.u32 v0, v30  }
0xb5: {  	v31 =	vor.u32 $0x1, v30  }
0xb6: {  	v32 =	vor.u32 $0x3, v30  }
0xb7: {  	v27 =	vadd.f32 v27, v29;
	v29 =	vor.u32 $0x5, v30  }
0xb8: {  	v24 =	vmul.f32 v24, v25;
	v25 =	vld.idx.msk [tilespmem:v13+s10+$0x0], $0xffff;
	v50 =	vor.u32 $0x6, v30  }
0xb9: {  	v22 =	vmul.f32 v28, v22;
	v28 =	vor.u32 $0x2, v30;
	v33 =	vld.idx.msk [tilespmem:v30+s3+$0x0], $0xffff  }
0xba: {  	v51 =	vor.u32 $0x7, v30;
	v31 =	vld.idx.msk [tilespmem:v31+s3+$0x0], $0xffff  }
0xbb: {  	v26 =	vadd.f32 v26, v27;
	v27 =	vor.u32 $0x4, v30;
	v32 =	vld.idx.msk [tilespmem:v32+s3+$0x0], $0xffff  }
0xbc: {  	v34 =	vor.u32 $0x8, v30;
	v29 =	vld.idx.msk [tilespmem:v29+s3+$0x0], $0xffff  }
0xbd: {  	v21 =	vmul.f32 $1.192092900e-07, v21;
	v41 =	vor.u32 $0x9, v30;
	v39 =	vld.idx.msk [tilespmem:v50+s3+$0x0], $0xffff  }
0xbe: {  	v36 =	vor.u32 $0xD, v30;
	v28 =	vld.idx.msk [tilespmem:v28+s3+$0x0], $0xffff  }
0xbf: {  	v21 =	vadd.f32 v21, v23;
	v13 =	vor.u32 $0x13, v30;
	v24 =	vadd.f32 v24, v26;
	v23 =	vld.idx.msk [tilespmem:v51+s3+$0x0], $0xffff  }
0xc0: {  	v27 =	vld.idx.msk [tilespmem:v27+s3+$0x0], $0xffff  }
0xc1: {  	v21 =	vmul.f32 v21, v20;
	v22 =	vadd.f32 v22, v24;
	v34 =	vld.idx.msk [tilespmem:v34+s3+$0x0], $0xffff  }
0xc2: {  	v35 =	vor.u32 $0xA, v30;
	v37 =	vor.u32 $0xF, v30;
	v38 =	vor.u32 $0x10, v30;
	v41 =	vld.idx.msk [tilespmem:v41+s3+$0x0], $0xffff  }
0xc3: {  	v40 =	vor.u32 $0x11, v30;
	v36 =	vld.idx.msk [tilespmem:v36+s3+$0x0], $0xffff;
	v21 =	vadd.f32 v21, v22;
	v33 =	vadd.f32 $1.000000020e-16, v33  }
0xc4: {  	v26 =	vor.u32 $0xC, v30;
	v13 =	vld.idx.msk [tilespmem:v13+s3+$0x0], $0xffff;
	v31 =	vadd.f32 $1.000000020e-16, v31;
	v32 =	vadd.f32 $1.000000020e-16, v32  }
0xc5: {  	v20 =	vor.u32 $0x12, v30;
	v28 =	vadd.f32 $1.000000020e-16, v28;
	v29 =	vadd.f32 $1.000000020e-16, v29  }
0xc6: {  	v24 =	vor.u32 $0xE, v30;
	v39 =	vadd.f32 $1.000000020e-16, v39;
	v23 =	vadd.f32 $1.000000020e-16, v23  }
0xc7: {  	v30 =	vor.u32 $0xB, v30;
	v27 =	vadd.f32 $1.000000020e-16, v27;
	v34 =	vadd.f32 $1.000000020e-16, v34  }
0xc8: {  	v17 =	vld.idx.msk [tilespmem:v17+s10+$0x0], $0xffff;
	v41 =	vadd.f32 $1.000000020e-16, v41;
	v36 =	vadd.f32 $1.000000020e-16, v36;
	v52 =	vshrl.u32 v33, $0xA  }
0xc9: {  	v8 =	vld.idx.msk [tilespmem:v8+s10+$0x0], $0xffff;
	v13 =	vadd.f32 $1.000000020e-16, v13;
	v33 =	vcvt.s32.f32 v33;
	v22 =	vand.u32 $0x1FFF, v52  }
0xca: {  	v7 =	vld.idx.msk [tilespmem:v7+s10+$0x0], $0xffff;
	v42 =	vshrl.u32 v31, $0xA;
	v43 =	vcvt.s32.f32 v32;
	v32 =	vshrl.u32 v32, $0xA  }
0xcb: {  	v35 =	vld.idx.msk [tilespmem:v35+s3+$0x0], $0xffff;
	v44 =	vshrl.u32 v28, $0xA;
	v45 =	vshrl.u32 v29, $0xA;
	v47 =	vcvt.s32.f32 v23  }
0xcc: {  	v26 =	vld.idx.msk [tilespmem:v26+s3+$0x0], $0xffff;
	v46 =	vshrl.u32 v39, $0xA;
	v28 =	vcvt.s32.f32 v28;
	v31 =	vcvt.s32.f32 v31  }
0xcd: {  	v20 =	vld.idx.msk [tilespmem:v20+s3+$0x0], $0xffff;
	v49 =	vshrl.u32 v27, $0xA;
	v23 =	vshrl.u32 v23, $0xA;
	v42 =	vand.u32 $0x1FFF, v42  }
0xce: {  	v48 =	vld.idx.msk [tilespmem:v1+s10+$0x0], $0xffff;
	v50 =	vshrl.u32 v34, $0xA;
	v27 =	vcvt.s32.f32 v27;
	v53 =	vcvt.s32.f32 v34  }
0xcf: {  	v30 =	vld.idx.msk [tilespmem:v30+s3+$0x0], $0xffff;
	v56 =	vcvt.s32.f32 v41;
	v41 =	vshrl.u32 v41, $0xA;
	v44 =	vand.u32 $0x1FFF, v44  }
0xd0: {  	v39 =	vcvt.s32.f32 v39;
	v58 =	vcvt.s32.f32 v29;
	v32 =	vand.u32 $0x1FFF, v32;
	v22 =	vld.idx.msk [tilespmem:v22+s12+$0x0], $0xffff  }
0xd1: {  	v24 =	vld.idx.msk [tilespmem:v24+s3+$0x0], $0xffff;
	v29 =	vadd.f32 $1.000000020e-16, v35;
	v26 =	vadd.f32 $1.000000020e-16, v26;
	v46 =	vand.u32 $0x1FFF, v46  }
0xd2: {  	v20 =	vadd.f32 $1.000000020e-16, v20;
	v45 =	vand.u32 $0x1FFF, v45;
	v50 =	vand.u32 $0x1FFF, v50;
	v42 =	vld.idx.msk [tilespmem:v42+s12+$0x0], $0xffff  }
0xd3: {  	v6 =	vld.idx.msk [tilespmem:v6+s10+$0x0], $0xffff;
	v33 =	vmul.f32 $1.192092900e-07, v33;
	v55 =	vand.u32 $0x1FFF, v49;
	v41 =	vand.u32 $0x1FFF, v41  }
0xd4: {  	v23 =	vand.u32 $0x1FFF, v23;
	v31 =	vmul.f32 $1.192092900e-07, v31;
	v57 =	vmul.f32 $1.192092900e-07, v43;
	v59 =	vld.idx.msk [tilespmem:v44+s12+$0x0], $0xffff  }
0xd5: {  	v43 =	vmul.f32 $1.192092900e-07, v47;
	v61 =	vmul.f32 $1.192092900e-07, v39;
	v32 =	vld.idx.msk [tilespmem:v32+s12+$0x0], $0xffff;
	v22 =	vadd.f32 v33, v22  }
0xd6: {  	v28 =	vmul.f32 $1.192092900e-07, v28;
	v63 =	vshrl.u32 v29, $0xA;
	v24 =	vadd.f32 $1.000000020e-16, v24;
	v46 =	vld.idx.msk [tilespmem:v46+s12+$0x0], $0xffff  }
0xd7: {  	v30 =	vadd.f32 $1.000000020e-16, v30;
	v62 =	vld.idx.msk [tilespmem:v50+s12+$0x0], $0xffff;
	v31 =	vadd.f32 v31, v42;
	v22 =	vmul.f32 v22, v48  }
0xd8: {  	v52 =	vand.u32 $0x1FFF, v63;
	v63 =	vshrl.u32 v24, $0xA;
	v24 =	vcvt.s32.f32 v24;
	v48 =	vld.idx.msk [tilespmem:v55+s12+$0x0], $0xffff  }
0xd9: {  	v23 =	vld.idx.msk [tilespmem:v23+s12+$0x0], $0xffff;
	v28 =	vadd.f32 v28, v59;
	v6 =	vmul.f32 v31, v6;
	v21 =	vadd.f32 v22, v21  }
0xda: {  	v54 =	vld.idx.msk [tilespmem:v45+s12+$0x0], $0xffff;
	v50 =	vmul.f32 $1.192092900e-07, v27;
	v49 =	vmul.f32 $1.192092900e-07, v24;
	v60 =	vadd.f32 v57, v32  }
0xdb: {  	v4 =	vld.idx.msk [tilespmem:v4+s10+$0x0], $0xffff;
	v33 =	vmul.f32 $1.192092900e-07, v53;
	v25 =	vmul.f32 v28, v25;
	v6 =	vadd.f32 v6, v21  }
0xdc: {  	v53 =	vld.idx.msk [tilespmem:v38+s3+$0x0], $0xffff;
	v38 =	vcvt.s32.f32 v26;
	v27 =	vadd.f32 v61, v46;
	v7 =	vmul.f32 v60, v7  }
0xdd: {  	v22 =	vmul.f32 $1.192092900e-07, v58;
	v21 =	vadd.f32 v50, v48;
	v6 =	vadd.f32 v25, v6  }
0xde: {  	v3 =	vld.idx.msk [tilespmem:v3+s10+$0x0], $0xffff;
	v59 =	vshrl.u32 v36, $0xA;
	v23 =	vadd.f32 v43, v23;
	v33 =	vadd.f32 v33, v62  }
0xdf: {  	v37 =	vld.idx.msk [tilespmem:v37+s3+$0x0], $0xffff;
	v22 =	vadd.f32 v22, v54;
	v17 =	vmul.f32 v21, v17;
	v6 =	vadd.f32 v7, v6  }
0xe0: {  	v5 =	vld.idx.msk [tilespmem:v5+s10+$0x0], $0xffff;
	v61 =	vand.u32 $0x1FFF, v59;
	v28 =	vshrl.u32 v30, $0xA;
	v4 =	vmul.f32 v27, v4  }
0xe1: {  	v27 =	vld.idx.msk [tilespmem:v52+s12+$0x0], $0xffff;
	v55 =	vand.u32 $0x1FFF, v28;
	v8 =	vmul.f32 v22, v8;
	v6 =	vadd.f32 v17, v6  }
0xe2: {  	v51 =	vld.idx.msk [tilespmem:v41+s12+$0x0], $0xffff;
	v28 =	vcvt.s32.f32 v29;
	v54 =	vmul.f32 $1.192092900e-07, v56;
	v56 =	vshrl.u32 v26, $0xA  }
0xe3: {  	v29 =	vcvt.s32.f32 v36;
	v36 =	vld.idx.msk [tilespmem:v40+s3+$0x0], $0xffff;
	v57 =	vand.u32 $0x1FFF, v56;
	v6 =	vadd.f32 v8, v6  }
0xe4: {  	v2 =	vld.idx.msk [tilespmem:v2+s10+$0x0], $0xffff;
	v62 =	vadd.f32 $1.000000020e-16, v37;
	v30 =	vcvt.s32.f32 v30;
	v28 =	vmul.f32 $1.192092900e-07, v28  }
0xe5: {  	v19 =	vld.idx.msk [tilespmem:v19+s10+$0x0], $0xffff;
	v5 =	vmul.f32 v23, v5;
	v3 =	vmul.f32 v33, v3;
	v4 =	vadd.f32 v4, v6  }
0xe6: {  	v58 =	vadd.f32 $1.000000020e-16, v53;
	v37 =	vadd.f32 v28, v27;
	v27 =	vand.u32 $0x1FFF, v63;
	v60 =	vld.idx.msk [tilespmem:v55+s12+$0x0], $0xffff  }
0xe7: {  	v16 =	vld.idx.msk [tilespmem:v16+s10+$0x0], $0xffff;
	v39 =	vshrl.u32 v62, $0xA;
	v25 =	vadd.f32 v54, v51;
	v4 =	vadd.f32 v5, v4  }
0xe8: {  	v23 =	vand.u32 $0x1FFF, v39;
	v42 =	vshrl.u32 v58, $0xA;
	v41 =	vadd.f32 $1.000000020e-16, v36;
	v7 =	vld.idx.msk [tilespmem:v57+s12+$0x0], $0xffff  }
0xe9: {  	v18 =	vld.idx.msk [tilespmem:v18+s10+$0x0], $0xffff;
	v28 =	vmul.f32 $1.192092900e-07, v30;
	v2 =	vmul.f32 v25, v2;
	v3 =	vadd.f32 v3, v4  }
0xea: {  	v22 =	vld.idx.msk [tilespmem:v61+s12+$0x0], $0xffff;
	v44 =	vand.u32 $0x1FFF, v42;
	v40 =	vmul.f32 v37, v19;
	v45 =	vshrl.u32 v41, $0xA  }
0xeb: {  	v43 =	vld.idx.msk [tilespmem:v27+s12+$0x0], $0xffff;
	v17 =	vadd.f32 v28, v60;
	v6 =	vmul.f32 $1.192092900e-07, v38;
	v2 =	vadd.f32 v2, v3  }
0xec: {  	v15 =	vld.idx.msk [tilespmem:v15+s10+$0x0], $0xffff;
	v50 =	vshrl.u32 v20, $0xA;
	v25 =	vmul.f32 $1.192092900e-07, v29;
	v46 =	vand.u32 $0x1FFF, v45  }
0xed: {  	v48 =	vld.idx.msk [tilespmem:v23+s12+$0x0], $0xffff;
	v16 =	vmul.f32 v17, v16;
	v3 =	vadd.f32 v6, v7;
	v2 =	vadd.f32 v40, v2  }
0xee: {  	v14 =	vld.idx.msk [tilespmem:v14+s10+$0x0], $0xffff;
	v53 =	vshrl.u32 v13, $0xA;
	v51 =	vcvt.s32.f32 v62;
	v23 =	vand.u32 $0x1FFF, v50  }
0xef: {  	v47 =	vadd.f32 v25, v22;
	v4 =	vld.idx.msk [tilespmem:v44+s12+$0x0], $0xffff;
	v3 =	vmul.f32 v3, v18;
	v2 =	vadd.f32 v16, v2  }
0xf0: {  	v12 =	vld.idx.msk [tilespmem:v12+s10+$0x0], $0xffff;
	v52 =	vcvt.s32.f32 v58;
	v17 =	vadd.f32 v49, v43;
	v5 =	vmul.f32 $1.192092900e-07, v51  }
0xf1: {  	v54 =	vld.idx.msk [tilespmem:v11+s10+$0x0], $0xffff;
	v7 =	vmul.f32 v47, v15;
	v18 =	vand.u32 $0x1FFF, v53;
	v2 =	vadd.f32 v3, v2  }
0xf2: {  	v1 =	vadd.s32 $0x13, v1;
	v55 =	vmul.f32 $1.192092900e-07, v52;
	v5 =	vadd.f32 v5, v48;
	v6 =	vld.idx.msk [tilespmem:v46+s12+$0x0], $0xffff  }
0xf3: {  	v9 =	vld.idx.msk [tilespmem:v9+s10+$0x0], $0xffff;
	v14 =	vmul.f32 v17, v14;
	v3 =	vcvt.s32.f32 v41;
	v2 =	vadd.f32 v7, v2  }
0xf4: {  	v57 =	vcvt.s32.f32 v20;
	v56 =	vld.idx.msk [tilespmem:v23+s12+$0x0], $0xffff;
	v4 =	vadd.f32 v55, v4  }
0xf5: {  	v10 =	vld.idx.msk [tilespmem:v10+s10+$0x0], $0xffff;
	v5 =	vmul.f32 v5, v12;
	v3 =	vmul.f32 $1.192092900e-07, v3;
	v2 =	vadd.f32 v14, v2  }
0xf6: {  	v58 =	vcvt.s32.f32 v13;
	v4 =	vmul.f32 v4, v54;
	v59 =	vld.idx.msk [tilespmem:v18+s12+$0x0], $0xffff  }
0xf7: {  	v7 =	vmul.f32 $1.192092900e-07, v57;
	v3 =	vadd.f32 v3, v6;
	v2 =	vadd.f32 v5, v2  }
0xf8: {  	v1 =	vld.idx.msk [tilespmem:v1+s10+$0x0], $0xffff;
	v61 =	vmul.f32 $1.192092900e-07, v58  }
0xf9: {  	s15 =	sadd.s32 $0x1, s15;
	v60 =	vadd.f32 v7, v56;
	v3 =	vmul.f32 v3, v9;
	v2 =	vadd.f32 v4, v2  }
0xfa: {  	p0 =	sne.s32 s15, $0x16  }
.Ltmp1:
0xfb: {  	v62 =	vmul.f32 v60, v10;
	v63 =	vadd.f32 v61, v59;
	v2 =	vadd.f32 v3, v2;
	(pc) =	sbr.rel @p0 .LBB2_2-.Ltmp1, $3  }
0xfc: {  	_ = 	snop  }
0xfd: {  	v1 =	vmul.f32 v63, v1;
	v2 =	vadd.f32 v62, v2;
	_ =	sdelay $0x1  }
0xfe: {  	v27 =	vadd.f32 v1, v2  }
0xff: {  	s14 =	sadd.s32 $0x1, s14  }
0x100: {  	p0 =	sne.s32 s14, s9  }
.Ltmp2:
0x101: {  	[tilespmem:$0x12400] =	vst v27;
	(pc) =	sbr.rel @p0 .LBB2_1-.Ltmp2, $4  }
0x102: {  	[hbm4b:s8+s3] =	stream.linear.scatter [tilespmem:s13], [sflag:$0x1], $0x80, $0x38;
	[tilespmem:$0x12480] =	vst v63  }
0x103: {  	_ =	swait.ge [sflag:s11], $0x80  }
0x104: {  	[sflag:s11] =	ssyncset.done $0x0  }
0x105: {  	[sflag:s11] =	ssyncadd.s32 $0xFFFFFF80  }
0x106: {  	_ =	sfence.sel $0x180000  }
0x107: {  	[bflag:$0x0] =	sbarrier.arrive $0xFFFF  }
0x108: {  	p0 =	sne.s32 s1, $0x0;
	_ =	strace $0x90000047  }
0x109: {  	s0 =	sadd.s32 @!p0 $0x100000, s0;
	[bflag:$0x2] =	sbarrier.arrive $0xFFFF  }
0x10a: {  	[sflag:s0] =	ssyncadd.tile.s32 @!p0 $0x1;
	_ =	shalt  }
.Lfunc_end2:
_tile_overlayer_lowered:
.L_overlay_start_2:
0x10b: {  	(tag) =	ssettag $0x2  }
0x10c: {  	s0 =	rddreg [dreg:$0x0];
	s2 =	stileid.u32  }
0x10d: {  	s1 =	rddreg [dreg:$0x1];
	p0 =	sne.s32 s2, $0x0  }
0x10e: {  	s3 =	rddreg [dreg:$0x2];
	[bflag:$0x3] =	sbarrier.arrive $0xFFFF;
	s2 =	simm.s32 @!p0 $0x1C01  }
0x10f: {  	[timem:s3], [sflag:s2] =	dma.local @!p0 [hbm:s0], s1  }
0x110: {  	s0 =	simm.s32 @!p0 $0x1  }
0x111: {  	_ =	swait.ge @!p0 [sflag:s0], s1  }
0x112: {  	s1 =	ssub.s32 @!p0 $0x0, s1;
	[sflag:s0] =	ssyncset.done @!p0 $0x0  }
0x113: {  	[sflag:s0] =	ssyncadd.s32 @!p0 s1  }
0x114: {  	[bflag:$0x3] =	sbarrier.arrive $0xFFFF  }
0x115: {  	_ =	shalt  }

</sc_bundles>
